<compile_context>
chip_gen: v7x
topology: tpu7x:2x2x1
jax: 0.10.2.dev20260603
libtpu: 0.0.44.dev20260713+nightly
codegen_flags: <defaults>
</compile_context>

<pallas_src>
import functools

import jax
import jax.numpy as jnp
from jax import lax
from jax.experimental import pallas as pl
from jax.experimental.pallas import tpu as pltpu
from jax.experimental.pallas import tpu_sc as plsc

_B, _T, _C = 128, 50, 8192
_NC, _NS = 2, 16
_NW = _NC * _NS
_BPW = _B // _NW
_W = 512
_NST = _C // _W
_L = 16


def _sc_onehot_body(lab_hbm, prob_hbm, out_hbm, buf, labv, probv, sems):
    wid = lax.axis_index("s") * _NC + lax.axis_index("c")
    b0 = wid * _BPW

    lane = lax.iota(jnp.int32, _L)
    zvec = jnp.zeros((_L,), jnp.float32)

    pltpu.sync_copy(lab_hbm.at[pl.ds(b0, _BPW), :], labv)
    pltpu.sync_copy(prob_hbm, probv)
    pvec = probv[...]

    def chunk_dma(b_loc, st, s):
        return pltpu.make_async_copy(
            buf.at[s],
            out_hbm.at[b0 + b_loc, :, pl.ds(st * _W, _W)],
            sems.at[s])

    def chunk_body(chunk, _):
        b_loc = chunk // _NST
        st = lax.rem(chunk, _NST)
        s = lax.rem(chunk, 2)
        c0 = st * _W

        @pl.when(chunk >= 2)
        def _():
            chunk_dma((chunk - 2) // _NST, lax.rem(chunk - 2, _NST), s).wait()

        def row(t, _):
            rowref = buf.at[s, t]
            tgt = labv[b_loc, pl.ds(t * _L, _L)] - lane - c0
            for w in range(_W // _L):
                rowref[pl.ds(w * _L, _L)] = jnp.where(tgt == 0, pvec, zvec)
                tgt = tgt - _L
            return 0
        lax.fori_loop(0, _T, row, 0)
        chunk_dma(b_loc, st, s).start()
        return 0

    nch = _BPW * _NST
    lax.fori_loop(0, nch, chunk_body, 0)
    for chunk in (nch - 2, nch - 1):
        chunk_dma(chunk // _NST, chunk % _NST, chunk % 2).wait()


_sc_onehot = functools.partial(
    pl.kernel,
    out_type=jax.ShapeDtypeStruct((_B, _T, _C), jnp.float32),
    mesh=plsc.VectorSubcoreMesh(
        core_axis_name="c", subcore_axis_name="s",
        num_cores=_NC, num_subcores=_NS),
    scratch_types=[
        pltpu.VMEM((2, _T, _W), jnp.float32),
        pltpu.VMEM((_BPW, _T * _L), jnp.int32),
        pltpu.VMEM((_L,), jnp.float32),
        pltpu.SemaphoreType.DMA((2,)),
    ],
    compiler_params=pltpu.CompilerParams(use_tc_tiling_on_sc=True),
)(_sc_onehot_body)


def kernel(LLM_label, prob):
    blab = jnp.broadcast_to(
        LLM_label.astype(jnp.int32)[..., None], (_B, _T, _L))
    prob16 = jnp.broadcast_to(prob.astype(jnp.float32), (_L,))
    return _sc_onehot(blab.reshape(_B, _T * _L), prob16)

# --- scband reference (transcript-rebuilt; emitter-appended) ---
"""Pipeline reference for scband-llmlabel-onehot-67619965108953 (READ-ONLY COPY).

The authoritative reference and input builder live on the scoring server;
editing this copy changes nothing except your own understanding.
"""

import jax, jax.numpy as jnp
import numpy as np

CLASS_DIM = 8192  # args.class_dim_llama (global in original code)
BATCH = 128
T = 50
NUM_LISTS = 1


def setup_inputs(seed: int = 0) -> dict:
    key = jax.random.key(seed)
    k1, k2 = jax.random.split(key)
    LLM_label = jax.random.randint(k1, (BATCH, T), 0, CLASS_DIM)
    prob = jnp.ones((1,), dtype=jnp.float32)  # probabilities == [1]
    return {"LLM_label": LLM_label, "prob": prob}


def reference(LLM_label, prob):
    # probabilities == [1], num_lists == 1 branch:
    # for each (batch_idx, t): list_prob = zeros(C); list_prob[LLM_label[b, t]] = prob;
    # onehot[b*T + t, :] = list_prob  -> vectorized scatter-overwrite
    flat = LLM_label.reshape(-1)                      # [B*T]
    rows = jnp.arange(flat.shape[0])
    onehot = jnp.zeros((flat.shape[0], CLASS_DIM), dtype=prob.dtype)
    onehot = onehot.at[rows, flat].set(prob[0])
    return onehot.reshape(BATCH, T, CLASS_DIM)

if __name__ == "__main__":
    import jax
    _d = setup_inputs()
    print(jax.jit(kernel)(*tuple(_d.values())))

</pallas_src>

<mosaic_0001>
#map = affine_map<(d0, d1) -> (0, 0)>
#map1 = affine_map<(d0, d1) -> (0)>
#map2 = affine_map<(d0, d1) -> (0, 0, 0)>
module attributes {stable_mosaic.version = 14 : i64} {
  func.func @_sc_onehot_body(%arg0: i32, %arg1: i32, %arg2: memref<128x800xi32, #tpu.memory_space<hbm>>, %arg3: memref<16xf32, #tpu.memory_space<hbm>>, %arg4: memref<128x50x8192xf32, #tpu.memory_space<hbm>>, %arg5: memref<2x50x512xf32, #tpu.memory_space<vmem>>, %arg6: memref<4x800xi32, #tpu.memory_space<vmem>>, %arg7: memref<16xf32, #tpu.memory_space<vmem>>, %arg8: memref<2x!tpu.dma_semaphore, #tpu.memory_space<semaphore_mem>>) attributes {dimension_semantics = [#tpu.dimension_semantics<core_parallel>, #tpu.dimension_semantics<subcore_parallel>], iteration_bounds = array<i64: 2, 16>, scalar_prefetch = 0 : i64, scratch_operands = 4 : i64, tpu.core_type = #tpu.core_type<sc_vector_subcore>, window_params = [{transform_indices = #map}, {transform_indices = #map1}, {transform_indices = #map2}]} {
    %mul3A = arith.constant 2 : i32
    %mul3A_0 = arith.muli %arg1, %mul3A : i32
    %add3A = arith.addi %mul3A_0, %arg0 : i32
    %mul3A_1 = arith.constant 4 : i32
    %mul3A_2 = arith.muli %add3A, %mul3A_1 : i32
    %iota3A = tpu.iota {dimensions = array<i32: 0>} : vector<16xi32>
    %broadcast_in_dim3A = arith.constant 0.000000e+00 : f32
    %broadcast_in_dim3A_3 = vector.broadcast %broadcast_in_dim3A : f32 to vector<16xf32>
    "tpu.region"() ({
      %run_scoped3A = tpu.sem_alloc : memref<!tpu.dma_semaphore, #tpu.memory_space<semaphore_mem>>
      %dma_start3A = arith.constant 0 : i32
      %dma_start3A_55 = tpu.memref_slice %arg2[%mul3A_2, %dma_start3A] : memref<128x800xi32, #tpu.memory_space<hbm>> -> memref<4x800xi32, #tpu.memory_space<hbm>>
      %dma_start3A_56 = arith.constant 0 : i32
      %dma_start3A_57 = tpu.memref_slice %arg2[%mul3A_2, %dma_start3A_56] : memref<128x800xi32, #tpu.memory_space<hbm>> -> memref<4x800xi32, #tpu.memory_space<hbm>>
      tpu.enqueue_dma source(%dma_start3A_57 : memref<4x800xi32, #tpu.memory_space<hbm>>) target(%arg6 : memref<4x800xi32, #tpu.memory_space<vmem>>) target_semaphore(%run_scoped3A : memref<!tpu.dma_semaphore, #tpu.memory_space<semaphore_mem>>)
      %dma_wait3A_58 = arith.constant 0 : i32
      %dma_wait3A_59 = tpu.memref_slice %arg2[%mul3A_2, %dma_wait3A_58] : memref<128x800xi32, #tpu.memory_space<hbm>> -> memref<4x800xi32, #tpu.memory_space<hbm>>
      %dma_wait3A_60 = arith.constant 0 : i32
      %dma_wait3A_61 = tpu.memref_slice %arg2[%mul3A_2, %dma_wait3A_60] : memref<128x800xi32, #tpu.memory_space<hbm>> -> memref<4x800xi32, #tpu.memory_space<hbm>>
      tpu.wait_dma2 semaphore(%run_scoped3A : memref<!tpu.dma_semaphore, #tpu.memory_space<semaphore_mem>>) src(%dma_wait3A_61 : memref<4x800xi32, #tpu.memory_space<hbm>>) dst(%arg6 : memref<4x800xi32, #tpu.memory_space<vmem>>)
      tpu.yield
    }) : () -> ()
    "tpu.region"() ({
      %run_scoped3A = tpu.sem_alloc : memref<!tpu.dma_semaphore, #tpu.memory_space<semaphore_mem>>
      tpu.enqueue_dma source(%arg3 : memref<16xf32, #tpu.memory_space<hbm>>) target(%arg7 : memref<16xf32, #tpu.memory_space<vmem>>) target_semaphore(%run_scoped3A : memref<!tpu.dma_semaphore, #tpu.memory_space<semaphore_mem>>)
      tpu.wait_dma2 semaphore(%run_scoped3A : memref<!tpu.dma_semaphore, #tpu.memory_space<semaphore_mem>>) src(%arg3 : memref<16xf32, #tpu.memory_space<hbm>>) dst(%arg7 : memref<16xf32, #tpu.memory_space<vmem>>)
      tpu.yield
    }) : () -> ()
    %get3A = arith.constant 0 : index
    %get3A_4 = tpu.vector_load %arg7[%get3A] {strides = array<i32>} : memref<16xf32, #tpu.memory_space<vmem>>, vector<16xf32>,
    %get3A_5 = vector.shape_cast %get3A_4 : vector<16xf32> to vector<16xf32>
    %scan3A = arith.constant 0 : i32
    %scan3A_6 = arith.constant 0 : i32
    %scan3A_7 = arith.constant 64 : i32
    %scan3A_8 = arith.addi %scan3A_6, %scan3A_7 : i32
    %scan3A_9 = arith.constant 1 : i32
    %scan3A_10 = scf.for %scan3A_55 = %scan3A_6 to %scan3A_8 step %scan3A_9 iter_args(%scan3A_56 = %scan3A) -> (i32)  : i32 {
      %jit3A = arith.constant 16 : i32
      %div3A = arith.divsi %scan3A_55, %jit3A : i32
      %sign3A = arith.constant 0 : i32
      %sign3A_57 = arith.cmpi sgt, %scan3A_55, %sign3A : i32
      %sign3A_58 = arith.extui %sign3A_57 : i1 to i32
      %sign3A_59 = arith.constant 0 : i32
      %sign3A_60 = arith.cmpi slt, %scan3A_55, %sign3A_59 : i32
      %sign3A_61 = arith.extui %sign3A_60 : i1 to i32
      %sign3A_62 = arith.subi %sign3A_58, %sign3A_61 : i32
      %sign3A_63 = arith.constant 0 : i32
      %sign3A_64 = arith.cmpi sgt, %jit3A, %sign3A_63 : i32
      %sign3A_65 = arith.extui %sign3A_64 : i1 to i32
      %sign3A_66 = arith.constant 0 : i32
      %sign3A_67 = arith.cmpi slt, %jit3A, %sign3A_66 : i32
      %sign3A_68 = arith.extui %sign3A_67 : i1 to i32
      %sign3A_69 = arith.subi %sign3A_65, %sign3A_68 : i32
      %ne3A = arith.cmpi ne, %sign3A_62, %sign3A_69 : i32
      %rem3A = arith.remsi %scan3A_55, %jit3A : i32
      %ne3A_70 = arith.constant 0 : i32
      %ne3A_71 = arith.cmpi ne, %rem3A, %ne3A_70 : i32
      %and3A = arith.andi %ne3A, %ne3A_71 : i1
      %sub3A = arith.constant 1 : i32
      %sub3A_72 = arith.subi %div3A, %sub3A : i32
      %select_n3A = arith.select %and3A, %sub3A_72, %div3A : i32
      %rem3A_73 = arith.constant 16 : i32
      %rem3A_74 = arith.remsi %scan3A_55, %rem3A_73 : i32
      %rem3A_75 = arith.constant 2 : i32
      %rem3A_76 = arith.remsi %scan3A_55, %rem3A_75 : i32
      %mul3A_77 = arith.constant 512 : i32
      %mul3A_78 = arith.muli %rem3A_74, %mul3A_77 : i32
      %ge3A = arith.constant 2 : i32
      %ge3A_79 = arith.cmpi sge, %scan3A_55, %ge3A : i32
      %convert_element_type3A = arith.extui %ge3A_79 : i1 to i32
      %cond3A = arith.constant 0 : i32
      %cond3A_80 = arith.cmpi ne, %convert_element_type3A, %cond3A : i32
      scf.if %cond3A_80 {
        %sub3A_107 = arith.constant 2 : i32
        %sub3A_108 = arith.subi %scan3A_55, %sub3A_107 : i32
        %jit3A_109 = arith.constant 16 : i32
        %div3A_110 = arith.divsi %sub3A_108, %jit3A_109 : i32
        %sign3A_111 = arith.constant 0 : i32
        %sign3A_112 = arith.cmpi sgt, %sub3A_108, %sign3A_111 : i32
        %sign3A_113 = arith.extui %sign3A_112 : i1 to i32
        %sign3A_114 = arith.constant 0 : i32
        %sign3A_115 = arith.cmpi slt, %sub3A_108, %sign3A_114 : i32
        %sign3A_116 = arith.extui %sign3A_115 : i1 to i32
        %sign3A_117 = arith.subi %sign3A_113, %sign3A_116 : i32
        %sign3A_118 = arith.constant 0 : i32
        %sign3A_119 = arith.cmpi sgt, %jit3A_109, %sign3A_118 : i32
        %sign3A_120 = arith.extui %sign3A_119 : i1 to i32
        %sign3A_121 = arith.constant 0 : i32
        %sign3A_122 = arith.cmpi slt, %jit3A_109, %sign3A_121 : i32
        %sign3A_123 = arith.extui %sign3A_122 : i1 to i32
        %sign3A_124 = arith.subi %sign3A_120, %sign3A_123 : i32
        %ne3A_125 = arith.cmpi ne, %sign3A_117, %sign3A_124 : i32
        %rem3A_126 = arith.remsi %sub3A_108, %jit3A_109 : i32
        %ne3A_127 = arith.constant 0 : i32
        %ne3A_128 = arith.cmpi ne, %rem3A_126, %ne3A_127 : i32
        %and3A_129 = arith.andi %ne3A_125, %ne3A_128 : i1
        %sub3A_130 = arith.constant 1 : i32
        %sub3A_131 = arith.subi %div3A_110, %sub3A_130 : i32
        %select_n3A_132 = arith.select %and3A_129, %sub3A_131, %div3A_110 : i32
        %sub3A_133 = arith.constant 2 : i32
        %sub3A_134 = arith.subi %scan3A_55, %sub3A_133 : i32
        %rem3A_135 = arith.constant 16 : i32
        %rem3A_136 = arith.remsi %sub3A_134, %rem3A_135 : i32
        %add3A_137 = arith.addi %mul3A_2, %select_n3A_132 : i32
        %mul3A_138 = arith.constant 512 : i32
        %mul3A_139 = arith.muli %rem3A_136, %mul3A_138 : i32
        %dma_wait3A_140 = arith.constant 0 : i32
        %dma_wait3A_141 = arith.constant 0 : i32
        %dma_wait3A_142 = tpu.memref_slice %arg5[%rem3A_76, %dma_wait3A_140, %dma_wait3A_141] : memref<2x50x512xf32, #tpu.memory_space<vmem>> -> memref<1x50x512xf32, #tpu.memory_space<vmem>>
        %dma_wait3A_143 = tpu.memref_squeeze %dma_wait3A_142 : memref<1x50x512xf32, #tpu.memory_space<vmem>> -> memref<50x512xf32, #tpu.memory_space<vmem>>
        %dma_wait3A_144 = arith.constant 0 : i32
        %dma_wait3A_145 = tpu.memref_slice %arg4[%add3A_137, %dma_wait3A_144, %mul3A_139] : memref<128x50x8192xf32, #tpu.memory_space<hbm>> -> memref<1x50x512xf32, #tpu.memory_space<hbm>>
        %dma_wait3A_146 = tpu.memref_squeeze %dma_wait3A_145 : memref<1x50x512xf32, #tpu.memory_space<hbm>> -> memref<50x512xf32, #tpu.memory_space<hbm>>
        %dma_wait3A_147 = tpu.memref_slice %arg8[%rem3A_76] : memref<2x!tpu.dma_semaphore, #tpu.memory_space<semaphore_mem>> -> memref<1x!tpu.dma_semaphore, #tpu.memory_space<semaphore_mem>>
        %dma_wait3A_148 = tpu.memref_squeeze %dma_wait3A_147 : memref<1x!tpu.dma_semaphore, #tpu.memory_space<semaphore_mem>> -> memref<!tpu.dma_semaphore, #tpu.memory_space<semaphore_mem>>
        %dma_wait3A_149 = arith.constant 0 : i32
        %dma_wait3A_150 = tpu.memref_slice %arg4[%add3A_137, %dma_wait3A_149, %mul3A_139] : memref<128x50x8192xf32, #tpu.memory_space<hbm>> -> memref<1x50x512xf32, #tpu.memory_space<hbm>>
        %dma_wait3A_151 = tpu.memref_squeeze %dma_wait3A_150 : memref<1x50x512xf32, #tpu.memory_space<hbm>> -> memref<50x512xf32, #tpu.memory_space<hbm>>
        %dma_wait3A_152 = arith.constant 0 : i32
        %dma_wait3A_153 = arith.constant 0 : i32
        %dma_wait3A_154 = tpu.memref_slice %arg5[%rem3A_76, %dma_wait3A_152, %dma_wait3A_153] : memref<2x50x512xf32, #tpu.memory_space<vmem>> -> memref<1x50x512xf32, #tpu.memory_space<vmem>>
        %dma_wait3A_155 = tpu.memref_squeeze %dma_wait3A_154 : memref<1x50x512xf32, #tpu.memory_space<vmem>> -> memref<50x512xf32, #tpu.memory_space<vmem>>
        tpu.wait_dma2 semaphore(%dma_wait3A_148 : memref<!tpu.dma_semaphore, #tpu.memory_space<semaphore_mem>>) src(%dma_wait3A_155 : memref<50x512xf32, #tpu.memory_space<vmem>>) dst(%dma_wait3A_151 : memref<50x512xf32, #tpu.memory_space<hbm>>)
      } else {
      }
      %scan3A_81 = arith.constant 0 : i32
      %scan3A_82 = arith.constant 0 : i32
      %scan3A_83 = arith.constant 50 : i32
      %scan3A_84 = arith.addi %scan3A_82, %scan3A_83 : i32
      %scan3A_85 = arith.constant 1 : i32
      %scan3A_86 = scf.for %scan3A_107 = %scan3A_82 to %scan3A_84 step %scan3A_85 iter_args(%scan3A_108 = %scan3A_81) -> (i32)  : i32 {
        %mul3A_109 = arith.constant 16 : i32
        %mul3A_110 = arith.muli %scan3A_107, %mul3A_109 : i32
        %get3A_111 = arith.index_cast %select_n3A : i32 to index
        %get3A_112 = arith.index_cast %mul3A_110 : i32 to index
        %get3A_113 = tpu.vector_load %arg6[%get3A_111, %get3A_112] {strides = array<i32>} : memref<4x800xi32, #tpu.memory_space<vmem>>, vector<1x16xi32>,
        %get3A_114 = vector.shape_cast %get3A_113 : vector<1x16xi32> to vector<16xi32>
        %sub3A_115 = arith.subi %get3A_114, %iota3A : vector<16xi32>
        %sub3A_116 = vector.broadcast %mul3A_78 : i32 to vector<16xi32>
        %sub3A_117 = arith.subi %sub3A_115, %sub3A_116 : vector<16xi32>
        %eq3A = arith.constant 0 : i32
        %eq3A_118 = vector.broadcast %eq3A : i32 to vector<16xi32>
        %eq3A_119 = arith.cmpi eq, %sub3A_117, %eq3A_118 : vector<16xi32>
        %select_n3A_120 = arith.select %eq3A_119, %get3A_5, %broadcast_in_dim3A_3 : vector<16xi1>, vector<16xf32>
        %swap3A = arith.constant 0 : i32
        %swap3A_121 = tpu.memref_slice %arg5[%rem3A_76, %scan3A_107, %swap3A] : memref<2x50x512xf32, #tpu.memory_space<vmem>> -> memref<1x1x512xf32, #tpu.memory_space<vmem>>
        %swap3A_122 = tpu.memref_squeeze %swap3A_121 : memref<1x1x512xf32, #tpu.memory_space<vmem>> -> memref<512xf32, #tpu.memory_space<vmem>>
        %swap3A_123 = arith.constant 0 : index
        %swap3A_124 = tpu.vector_load %swap3A_122[%swap3A_123] {strides = array<i32>} : memref<512xf32, #tpu.memory_space<vmem>>, vector<16xf32>,
        %swap3A_125 = vector.shape_cast %swap3A_124 : vector<16xf32> to vector<16xf32>
        %swap3A_126 = vector.shape_cast %select_n3A_120 : vector<16xf32> to vector<16xf32>
        tpu.vector_store %swap3A_122[%swap3A_123], %swap3A_126 {strides = array<i32>} : memref<512xf32, #tpu.memory_space<vmem>>, vector<16xf32>,
        %sub3A_127 = arith.constant 16 : i32
        %sub3A_128 = vector.broadcast %sub3A_127 : i32 to vector<16xi32>
        %sub3A_129 = arith.subi %sub3A_117, %sub3A_128 : vector<16xi32>
        %eq3A_130 = arith.constant 0 : i32
        %eq3A_131 = vector.broadcast %eq3A_130 : i32 to vector<16xi32>
        %eq3A_132 = arith.cmpi eq, %sub3A_129, %eq3A_131 : vector<16xi32>
        %select_n3A_133 = arith.select %eq3A_132, %get3A_5, %broadcast_in_dim3A_3 : vector<16xi1>, vector<16xf32>
        %swap3A_134 = arith.constant 0 : i32
        %swap3A_135 = tpu.memref_slice %arg5[%rem3A_76, %scan3A_107, %swap3A_134] : memref<2x50x512xf32, #tpu.memory_space<vmem>> -> memref<1x1x512xf32, #tpu.memory_space<vmem>>
        %swap3A_136 = tpu.memref_squeeze %swap3A_135 : memref<1x1x512xf32, #tpu.memory_space<vmem>> -> memref<512xf32, #tpu.memory_space<vmem>>
        %swap3A_137 = arith.constant 16 : index
        %swap3A_138 = tpu.vector_load %swap3A_136[%swap3A_137] {strides = array<i32>} : memref<512xf32, #tpu.memory_space<vmem>>, vector<16xf32>,
        %swap3A_139 = vector.shape_cast %swap3A_138 : vector<16xf32> to vector<16xf32>
        %swap3A_140 = vector.shape_cast %select_n3A_133 : vector<16xf32> to vector<16xf32>
        tpu.vector_store %swap3A_136[%swap3A_137], %swap3A_140 {strides = array<i32>} : memref<512xf32, #tpu.memory_space<vmem>>, vector<16xf32>,
        %sub3A_141 = arith.constant 16 : i32
        %sub3A_142 = vector.broadcast %sub3A_141 : i32 to vector<16xi32>
        %sub3A_143 = arith.subi %sub3A_129, %sub3A_142 : vector<16xi32>
        %eq3A_144 = arith.constant 0 : i32
        %eq3A_145 = vector.broadcast %eq3A_144 : i32 to vector<16xi32>
        %eq3A_146 = arith.cmpi eq, %sub3A_143, %eq3A_145 : vector<16xi32>
        %select_n3A_147 = arith.select %eq3A_146, %get3A_5, %broadcast_in_dim3A_3 : vector<16xi1>, vector<16xf32>
        %swap3A_148 = arith.constant 0 : i32
        %swap3A_149 = tpu.memref_slice %arg5[%rem3A_76, %scan3A_107, %swap3A_148] : memref<2x50x512xf32, #tpu.memory_space<vmem>> -> memref<1x1x512xf32, #tpu.memory_space<vmem>>
        %swap3A_150 = tpu.memref_squeeze %swap3A_149 : memref<1x1x512xf32, #tpu.memory_space<vmem>> -> memref<512xf32, #tpu.memory_space<vmem>>
        %swap3A_151 = arith.constant 32 : index
        %swap3A_152 = tpu.vector_load %swap3A_150[%swap3A_151] {strides = array<i32>} : memref<512xf32, #tpu.memory_space<vmem>>, vector<16xf32>,
        %swap3A_153 = vector.shape_cast %swap3A_152 : vector<16xf32> to vector<16xf32>
        %swap3A_154 = vector.shape_cast %select_n3A_147 : vector<16xf32> to vector<16xf32>
        tpu.vector_store %swap3A_150[%swap3A_151], %swap3A_154 {strides = array<i32>} : memref<512xf32, #tpu.memory_space<vmem>>, vector<16xf32>,
        %sub3A_155 = arith.constant 16 : i32
        %sub3A_156 = vector.broadcast %sub3A_155 : i32 to vector<16xi32>
        %sub3A_157 = arith.subi %sub3A_143, %sub3A_156 : vector<16xi32>
        %eq3A_158 = arith.constant 0 : i32
        %eq3A_159 = vector.broadcast %eq3A_158 : i32 to vector<16xi32>
        %eq3A_160 = arith.cmpi eq, %sub3A_157, %eq3A_159 : vector<16xi32>
        %select_n3A_161 = arith.select %eq3A_160, %get3A_5, %broadcast_in_dim3A_3 : vector<16xi1>, vector<16xf32>
        %swap3A_162 = arith.constant 0 : i32
        %swap3A_163 = tpu.memref_slice %arg5[%rem3A_76, %scan3A_107, %swap3A_162] : memref<2x50x512xf32, #tpu.memory_space<vmem>> -> memref<1x1x512xf32, #tpu.memory_space<vmem>>
        %swap3A_164 = tpu.memref_squeeze %swap3A_163 : memref<1x1x512xf32, #tpu.memory_space<vmem>> -> memref<512xf32, #tpu.memory_space<vmem>>
        %swap3A_165 = arith.constant 48 : index
        %swap3A_166 = tpu.vector_load %swap3A_164[%swap3A_165] {strides = array<i32>} : memref<512xf32, #tpu.memory_space<vmem>>, vector<16xf32>,
        %swap3A_167 = vector.shape_cast %swap3A_166 : vector<16xf32> to vector<16xf32>
        %swap3A_168 = vector.shape_cast %select_n3A_161 : vector<16xf32> to vector<16xf32>
        tpu.vector_store %swap3A_164[%swap3A_165], %swap3A_168 {strides = array<i32>} : memref<512xf32, #tpu.memory_space<vmem>>, vector<16xf32>,
        %sub3A_169 = arith.constant 16 : i32
        %sub3A_170 = vector.broadcast %sub3A_169 : i32 to vector<16xi32>
        %sub3A_171 = arith.subi %sub3A_157, %sub3A_170 : vector<16xi32>
        %eq3A_172 = arith.constant 0 : i32
        %eq3A_173 = vector.broadcast %eq3A_172 : i32 to vector<16xi32>
        %eq3A_174 = arith.cmpi eq, %sub3A_171, %eq3A_173 : vector<16xi32>
        %select_n3A_175 = arith.select %eq3A_174, %get3A_5, %broadcast_in_dim3A_3 : vector<16xi1>, vector<16xf32>
        %swap3A_176 = arith.constant 0 : i32
        %swap3A_177 = tpu.memref_slice %arg5[%rem3A_76, %scan3A_107, %swap3A_176] : memref<2x50x512xf32, #tpu.memory_space<vmem>> -> memref<1x1x512xf32, #tpu.memory_space<vmem>>
        %swap3A_178 = tpu.memref_squeeze %swap3A_177 : memref<1x1x512xf32, #tpu.memory_space<vmem>> -> memref<512xf32, #tpu.memory_space<vmem>>
        %swap3A_179 = arith.constant 64 : index
        %swap3A_180 = tpu.vector_load %swap3A_178[%swap3A_179] {strides = array<i32>} : memref<512xf32, #tpu.memory_space<vmem>>, vector<16xf32>,
        %swap3A_181 = vector.shape_cast %swap3A_180 : vector<16xf32> to vector<16xf32>
        %swap3A_182 = vector.shape_cast %select_n3A_175 : vector<16xf32> to vector<16xf32>
        tpu.vector_store %swap3A_178[%swap3A_179], %swap3A_182 {strides = array<i32>} : memref<512xf32, #tpu.memory_space<vmem>>, vector<16xf32>,
        %sub3A_183 = arith.constant 16 : i32
        %sub3A_184 = vector.broadcast %sub3A_183 : i32 to vector<16xi32>
        %sub3A_185 = arith.subi %sub3A_171, %sub3A_184 : vector<16xi32>
        %eq3A_186 = arith.constant 0 : i32
        %eq3A_187 = vector.broadcast %eq3A_186 : i32 to vector<16xi32>
        %eq3A_188 = arith.cmpi eq, %sub3A_185, %eq3A_187 : vector<16xi32>
        %select_n3A_189 = arith.select %eq3A_188, %get3A_5, %broadcast_in_dim3A_3 : vector<16xi1>, vector<16xf32>
        %swap3A_190 = arith.constant 0 : i32
        %swap3A_191 = tpu.memref_slice %arg5[%rem3A_76, %scan3A_107, %swap3A_190] : memref<2x50x512xf32, #tpu.memory_space<vmem>> -> memref<1x1x512xf32, #tpu.memory_space<vmem>>
        %swap3A_192 = tpu.memref_squeeze %swap3A_191 : memref<1x1x512xf32, #tpu.memory_space<vmem>> -> memref<512xf32, #tpu.memory_space<vmem>>
        %swap3A_193 = arith.constant 80 : index
        %swap3A_194 = tpu.vector_load %swap3A_192[%swap3A_193] {strides = array<i32>} : memref<512xf32, #tpu.memory_space<vmem>>, vector<16xf32>,
        %swap3A_195 = vector.shape_cast %swap3A_194 : vector<16xf32> to vector<16xf32>
        %swap3A_196 = vector.shape_cast %select_n3A_189 : vector<16xf32> to vector<16xf32>
        tpu.vector_store %swap3A_192[%swap3A_193], %swap3A_196 {strides = array<i32>} : memref<512xf32, #tpu.memory_space<vmem>>, vector<16xf32>,
        %sub3A_197 = arith.constant 16 : i32
        %sub3A_198 = vector.broadcast %sub3A_197 : i32 to vector<16xi32>
        %sub3A_199 = arith.subi %sub3A_185, %sub3A_198 : vector<16xi32>
        %eq3A_200 = arith.constant 0 : i32
        %eq3A_201 = vector.broadcast %eq3A_200 : i32 to vector<16xi32>
        %eq3A_202 = arith.cmpi eq, %sub3A_199, %eq3A_201 : vector<16xi32>
        %select_n3A_203 = arith.select %eq3A_202, %get3A_5, %broadcast_in_dim3A_3 : vector<16xi1>, vector<16xf32>
        %swap3A_204 = arith.constant 0 : i32
        %swap3A_205 = tpu.memref_slice %arg5[%rem3A_76, %scan3A_107, %swap3A_204] : memref<2x50x512xf32, #tpu.memory_space<vmem>> -> memref<1x1x512xf32, #tpu.memory_space<vmem>>
        %swap3A_206 = tpu.memref_squeeze %swap3A_205 : memref<1x1x512xf32, #tpu.memory_space<vmem>> -> memref<512xf32, #tpu.memory_space<vmem>>
        %swap3A_207 = arith.constant 96 : index
        %swap3A_208 = tpu.vector_load %swap3A_206[%swap3A_207] {strides = array<i32>} : memref<512xf32, #tpu.memory_space<vmem>>, vector<16xf32>,
        %swap3A_209 = vector.shape_cast %swap3A_208 : vector<16xf32> to vector<16xf32>
        %swap3A_210 = vector.shape_cast %select_n3A_203 : vector<16xf32> to vector<16xf32>
        tpu.vector_store %swap3A_206[%swap3A_207], %swap3A_210 {strides = array<i32>} : memref<512xf32, #tpu.memory_space<vmem>>, vector<16xf32>,
        %sub3A_211 = arith.constant 16 : i32
        %sub3A_212 = vector.broadcast %sub3A_211 : i32 to vector<16xi32>
        %sub3A_213 = arith.subi %sub3A_199, %sub3A_212 : vector<16xi32>
        %eq3A_214 = arith.constant 0 : i32
        %eq3A_215 = vector.broadcast %eq3A_214 : i32 to vector<16xi32>
        %eq3A_216 = arith.cmpi eq, %sub3A_213, %eq3A_215 : vector<16xi32>
        %select_n3A_217 = arith.select %eq3A_216, %get3A_5, %broadcast_in_dim3A_3 : vector<16xi1>, vector<16xf32>
        %swap3A_218 = arith.constant 0 : i32
        %swap3A_219 = tpu.memref_slice %arg5[%rem3A_76, %scan3A_107, %swap3A_218] : memref<2x50x512xf32, #tpu.memory_space<vmem>> -> memref<1x1x512xf32, #tpu.memory_space<vmem>>
        %swap3A_220 = tpu.memref_squeeze %swap3A_219 : memref<1x1x512xf32, #tpu.memory_space<vmem>> -> memref<512xf32, #tpu.memory_space<vmem>>
        %swap3A_221 = arith.constant 112 : index
        %swap3A_222 = tpu.vector_load %swap3A_220[%swap3A_221] {strides = array<i32>} : memref<512xf32, #tpu.memory_space<vmem>>, vector<16xf32>,
        %swap3A_223 = vector.shape_cast %swap3A_222 : vector<16xf32> to vector<16xf32>
        %swap3A_224 = vector.shape_cast %select_n3A_217 : vector<16xf32> to vector<16xf32>
        tpu.vector_store %swap3A_220[%swap3A_221], %swap3A_224 {strides = array<i32>} : memref<512xf32, #tpu.memory_space<vmem>>, vector<16xf32>,
        %sub3A_225 = arith.constant 16 : i32
        %sub3A_226 = vector.broadcast %sub3A_225 : i32 to vector<16xi32>
        %sub3A_227 = arith.subi %sub3A_213, %sub3A_226 : vector<16xi32>
        %eq3A_228 = arith.constant 0 : i32
        %eq3A_229 = vector.broadcast %eq3A_228 : i32 to vector<16xi32>
        %eq3A_230 = arith.cmpi eq, %sub3A_227, %eq3A_229 : vector<16xi32>
        %select_n3A_231 = arith.select %eq3A_230, %get3A_5, %broadcast_in_dim3A_3 : vector<16xi1>, vector<16xf32>
        %swap3A_232 = arith.constant 0 : i32
        %swap3A_233 = tpu.memref_slice %arg5[%rem3A_76, %scan3A_107, %swap3A_232] : memref<2x50x512xf32, #tpu.memory_space<vmem>> -> memref<1x1x512xf32, #tpu.memory_space<vmem>>
        %swap3A_234 = tpu.memref_squeeze %swap3A_233 : memref<1x1x512xf32, #tpu.memory_space<vmem>> -> memref<512xf32, #tpu.memory_space<vmem>>
        %swap3A_235 = arith.constant 128 : index
        %swap3A_236 = tpu.vector_load %swap3A_234[%swap3A_235] {strides = array<i32>} : memref<512xf32, #tpu.memory_space<vmem>>, vector<16xf32>,
        %swap3A_237 = vector.shape_cast %swap3A_236 : vector<16xf32> to vector<16xf32>
        %swap3A_238 = vector.shape_cast %select_n3A_231 : vector<16xf32> to vector<16xf32>
        tpu.vector_store %swap3A_234[%swap3A_235], %swap3A_238 {strides = array<i32>} : memref<512xf32, #tpu.memory_space<vmem>>, vector<16xf32>,
        %sub3A_239 = arith.constant 16 : i32
        %sub3A_240 = vector.broadcast %sub3A_239 : i32 to vector<16xi32>
        %sub3A_241 = arith.subi %sub3A_227, %sub3A_240 : vector<16xi32>
        %eq3A_242 = arith.constant 0 : i32
        %eq3A_243 = vector.broadcast %eq3A_242 : i32 to vector<16xi32>
        %eq3A_244 = arith.cmpi eq, %sub3A_241, %eq3A_243 : vector<16xi32>
        %select_n3A_245 = arith.select %eq3A_244, %get3A_5, %broadcast_in_dim3A_3 : vector<16xi1>, vector<16xf32>
        %swap3A_246 = arith.constant 0 : i32
        %swap3A_247 = tpu.memref_slice %arg5[%rem3A_76, %scan3A_107, %swap3A_246] : memref<2x50x512xf32, #tpu.memory_space<vmem>> -> memref<1x1x512xf32, #tpu.memory_space<vmem>>
        %swap3A_248 = tpu.memref_squeeze %swap3A_247 : memref<1x1x512xf32, #tpu.memory_space<vmem>> -> memref<512xf32, #tpu.memory_space<vmem>>
        %swap3A_249 = arith.constant 144 : index
        %swap3A_250 = tpu.vector_load %swap3A_248[%swap3A_249] {strides = array<i32>} : memref<512xf32, #tpu.memory_space<vmem>>, vector<16xf32>,
        %swap3A_251 = vector.shape_cast %swap3A_250 : vector<16xf32> to vector<16xf32>
        %swap3A_252 = vector.shape_cast %select_n3A_245 : vector<16xf32> to vector<16xf32>
        tpu.vector_store %swap3A_248[%swap3A_249], %swap3A_252 {strides = array<i32>} : memref<512xf32, #tpu.memory_space<vmem>>, vector<16xf32>,
        %sub3A_253 = arith.constant 16 : i32
        %sub3A_254 = vector.broadcast %sub3A_253 : i32 to vector<16xi32>
        %sub3A_255 = arith.subi %sub3A_241, %sub3A_254 : vector<16xi32>
        %eq3A_256 = arith.constant 0 : i32
        %eq3A_257 = vector.broadcast %eq3A_256 : i32 to vector<16xi32>
        %eq3A_258 = arith.cmpi eq, %sub3A_255, %eq3A_257 : vector<16xi32>
        %select_n3A_259 = arith.select %eq3A_258, %get3A_5, %broadcast_in_dim3A_3 : vector<16xi1>, vector<16xf32>
        %swap3A_260 = arith.constant 0 : i32
        %swap3A_261 = tpu.memref_slice %arg5[%rem3A_76, %scan3A_107, %swap3A_260] : memref<2x50x512xf32, #tpu.memory_space<vmem>> -> memref<1x1x512xf32, #tpu.memory_space<vmem>>
        %swap3A_262 = tpu.memref_squeeze %swap3A_261 : memref<1x1x512xf32, #tpu.memory_space<vmem>> -> memref<512xf32, #tpu.memory_space<vmem>>
        %swap3A_263 = arith.constant 160 : index
        %swap3A_264 = tpu.vector_load %swap3A_262[%swap3A_263] {strides = array<i32>} : memref<512xf32, #tpu.memory_space<vmem>>, vector<16xf32>,
        %swap3A_265 = vector.shape_cast %swap3A_264 : vector<16xf32> to vector<16xf32>
        %swap3A_266 = vector.shape_cast %select_n3A_259 : vector<16xf32> to vector<16xf32>
        tpu.vector_store %swap3A_262[%swap3A_263], %swap3A_266 {strides = array<i32>} : memref<512xf32, #tpu.memory_space<vmem>>, vector<16xf32>,
        %sub3A_267 = arith.constant 16 : i32
        %sub3A_268 = vector.broadcast %sub3A_267 : i32 to vector<16xi32>
        %sub3A_269 = arith.subi %sub3A_255, %sub3A_268 : vector<16xi32>
        %eq3A_270 = arith.constant 0 : i32
        %eq3A_271 = vector.broadcast %eq3A_270 : i32 to vector<16xi32>
        %eq3A_272 = arith.cmpi eq, %sub3A_269, %eq3A_271 : vector<16xi32>
        %select_n3A_273 = arith.select %eq3A_272, %get3A_5, %broadcast_in_dim3A_3 : vector<16xi1>, vector<16xf32>
        %swap3A_274 = arith.constant 0 : i32
        %swap3A_275 = tpu.memref_slice %arg5[%rem3A_76, %scan3A_107, %swap3A_274] : memref<2x50x512xf32, #tpu.memory_space<vmem>> -> memref<1x1x512xf32, #tpu.memory_space<vmem>>
        %swap3A_276 = tpu.memref_squeeze %swap3A_275 : memref<1x1x512xf32, #tpu.memory_space<vmem>> -> memref<512xf32, #tpu.memory_space<vmem>>
        %swap3A_277 = arith.constant 176 : index
        %swap3A_278 = tpu.vector_load %swap3A_276[%swap3A_277] {strides = array<i32>} : memref<512xf32, #tpu.memory_space<vmem>>, vector<16xf32>,
        %swap3A_279 = vector.shape_cast %swap3A_278 : vector<16xf32> to vector<16xf32>
        %swap3A_280 = vector.shape_cast %select_n3A_273 : vector<16xf32> to vector<16xf32>
        tpu.vector_store %swap3A_276[%swap3A_277], %swap3A_280 {strides = array<i32>} : memref<512xf32, #tpu.memory_space<vmem>>, vector<16xf32>,
        %sub3A_281 = arith.constant 16 : i32
        %sub3A_282 = vector.broadcast %sub3A_281 : i32 to vector<16xi32>
        %sub3A_283 = arith.subi %sub3A_269, %sub3A_282 : vector<16xi32>
        %eq3A_284 = arith.constant 0 : i32
        %eq3A_285 = vector.broadcast %eq3A_284 : i32 to vector<16xi32>
        %eq3A_286 = arith.cmpi eq, %sub3A_283, %eq3A_285 : vector<16xi32>
        %select_n3A_287 = arith.select %eq3A_286, %get3A_5, %broadcast_in_dim3A_3 : vector<16xi1>, vector<16xf32>
        %swap3A_288 = arith.constant 0 : i32
        %swap3A_289 = tpu.memref_slice %arg5[%rem3A_76, %scan3A_107, %swap3A_288] : memref<2x50x512xf32, #tpu.memory_space<vmem>> -> memref<1x1x512xf32, #tpu.memory_space<vmem>>
        %swap3A_290 = tpu.memref_squeeze %swap3A_289 : memref<1x1x512xf32, #tpu.memory_space<vmem>> -> memref<512xf32, #tpu.memory_space<vmem>>
        %swap3A_291 = arith.constant 192 : index
        %swap3A_292 = tpu.vector_load %swap3A_290[%swap3A_291] {strides = array<i32>} : memref<512xf32, #tpu.memory_space<vmem>>, vector<16xf32>,
        %swap3A_293 = vector.shape_cast %swap3A_292 : vector<16xf32> to vector<16xf32>
        %swap3A_294 = vector.shape_cast %select_n3A_287 : vector<16xf32> to vector<16xf32>
        tpu.vector_store %swap3A_290[%swap3A_291], %swap3A_294 {strides = array<i32>} : memref<512xf32, #tpu.memory_space<vmem>>, vector<16xf32>,
        %sub3A_295 = arith.constant 16 : i32
        %sub3A_296 = vector.broadcast %sub3A_295 : i32 to vector<16xi32>
        %sub3A_297 = arith.subi %sub3A_283, %sub3A_296 : vector<16xi32>
        %eq3A_298 = arith.constant 0 : i32
        %eq3A_299 = vector.broadcast %eq3A_298 : i32 to vector<16xi32>
        %eq3A_300 = arith.cmpi eq, %sub3A_297, %eq3A_299 : vector<16xi32>
        %select_n3A_301 = arith.select %eq3A_300, %get3A_5, %broadcast_in_dim3A_3 : vector<16xi1>, vector<16xf32>
        %swap3A_302 = arith.constant 0 : i32
        %swap3A_303 = tpu.memref_slice %arg5[%rem3A_76, %scan3A_107, %swap3A_302] : memref<2x50x512xf32, #tpu.memory_space<vmem>> -> memref<1x1x512xf32, #tpu.memory_space<vmem>>
        %swap3A_304 = tpu.memref_squeeze %swap3A_303 : memref<1x1x512xf32, #tpu.memory_space<vmem>> -> memref<512xf32, #tpu.memory_space<vmem>>
        %swap3A_305 = arith.constant 208 : index
        %swap3A_306 = tpu.vector_load %swap3A_304[%swap3A_305] {strides = array<i32>} : memref<512xf32, #tpu.memory_space<vmem>>, vector<16xf32>,
        %swap3A_307 = vector.shape_cast %swap3A_306 : vector<16xf32> to vector<16xf32>
        %swap3A_308 = vector.shape_cast %select_n3A_301 : vector<16xf32> to vector<16xf32>
        tpu.vector_store %swap3A_304[%swap3A_305], %swap3A_308 {strides = array<i32>} : memref<512xf32, #tpu.memory_space<vmem>>, vector<16xf32>,
        %sub3A_309 = arith.constant 16 : i32
        %sub3A_310 = vector.broadcast %sub3A_309 : i32 to vector<16xi32>
        %sub3A_311 = arith.subi %sub3A_297, %sub3A_310 : vector<16xi32>
        %eq3A_312 = arith.constant 0 : i32
        %eq3A_313 = vector.broadcast %eq3A_312 : i32 to vector<16xi32>
        %eq3A_314 = arith.cmpi eq, %sub3A_311, %eq3A_313 : vector<16xi32>
        %select_n3A_315 = arith.select %eq3A_314, %get3A_5, %broadcast_in_dim3A_3 : vector<16xi1>, vector<16xf32>
        %swap3A_316 = arith.constant 0 : i32
        %swap3A_317 = tpu.memref_slice %arg5[%rem3A_76, %scan3A_107, %swap3A_316] : memref<2x50x512xf32, #tpu.memory_space<vmem>> -> memref<1x1x512xf32, #tpu.memory_space<vmem>>
        %swap3A_318 = tpu.memref_squeeze %swap3A_317 : memref<1x1x512xf32, #tpu.memory_space<vmem>> -> memref<512xf32, #tpu.memory_space<vmem>>
        %swap3A_319 = arith.constant 224 : index
        %swap3A_320 = tpu.vector_load %swap3A_318[%swap3A_319] {strides = array<i32>} : memref<512xf32, #tpu.memory_space<vmem>>, vector<16xf32>,
        %swap3A_321 = vector.shape_cast %swap3A_320 : vector<16xf32> to vector<16xf32>
        %swap3A_322 = vector.shape_cast %select_n3A_315 : vector<16xf32> to vector<16xf32>
        tpu.vector_store %swap3A_318[%swap3A_319], %swap3A_322 {strides = array<i32>} : memref<512xf32, #tpu.memory_space<vmem>>, vector<16xf32>,
        %sub3A_323 = arith.constant 16 : i32
        %sub3A_324 = vector.broadcast %sub3A_323 : i32 to vector<16xi32>
        %sub3A_325 = arith.subi %sub3A_311, %sub3A_324 : vector<16xi32>
        %eq3A_326 = arith.constant 0 : i32
        %eq3A_327 = vector.broadcast %eq3A_326 : i32 to vector<16xi32>
        %eq3A_328 = arith.cmpi eq, %sub3A_325, %eq3A_327 : vector<16xi32>
        %select_n3A_329 = arith.select %eq3A_328, %get3A_5, %broadcast_in_dim3A_3 : vector<16xi1>, vector<16xf32>
        %swap3A_330 = arith.constant 0 : i32
        %swap3A_331 = tpu.memref_slice %arg5[%rem3A_76, %scan3A_107, %swap3A_330] : memref<2x50x512xf32, #tpu.memory_space<vmem>> -> memref<1x1x512xf32, #tpu.memory_space<vmem>>
        %swap3A_332 = tpu.memref_squeeze %swap3A_331 : memref<1x1x512xf32, #tpu.memory_space<vmem>> -> memref<512xf32, #tpu.memory_space<vmem>>
        %swap3A_333 = arith.constant 240 : index
        %swap3A_334 = tpu.vector_load %swap3A_332[%swap3A_333] {strides = array<i32>} : memref<512xf32, #tpu.memory_space<vmem>>, vector<16xf32>,
        %swap3A_335 = vector.shape_cast %swap3A_334 : vector<16xf32> to vector<16xf32>
        %swap3A_336 = vector.shape_cast %select_n3A_329 : vector<16xf32> to vector<16xf32>
        tpu.vector_store %swap3A_332[%swap3A_333], %swap3A_336 {strides = array<i32>} : memref<512xf32, #tpu.memory_space<vmem>>, vector<16xf32>,
        %sub3A_337 = arith.constant 16 : i32
        %sub3A_338 = vector.broadcast %sub3A_337 : i32 to vector<16xi32>
        %sub3A_339 = arith.subi %sub3A_325, %sub3A_338 : vector<16xi32>
        %eq3A_340 = arith.constant 0 : i32
        %eq3A_341 = vector.broadcast %eq3A_340 : i32 to vector<16xi32>
        %eq3A_342 = arith.cmpi eq, %sub3A_339, %eq3A_341 : vector<16xi32>
        %select_n3A_343 = arith.select %eq3A_342, %get3A_5, %broadcast_in_dim3A_3 : vector<16xi1>, vector<16xf32>
        %swap3A_344 = arith.constant 0 : i32
        %swap3A_345 = tpu.memref_slice %arg5[%rem3A_76, %scan3A_107, %swap3A_344] : memref<2x50x512xf32, #tpu.memory_space<vmem>> -> memref<1x1x512xf32, #tpu.memory_space<vmem>>
        %swap3A_346 = tpu.memref_squeeze %swap3A_345 : memref<1x1x512xf32, #tpu.memory_space<vmem>> -> memref<512xf32, #tpu.memory_space<vmem>>
        %swap3A_347 = arith.constant 256 : index
        %swap3A_348 = tpu.vector_load %swap3A_346[%swap3A_347] {strides = array<i32>} : memref<512xf32, #tpu.memory_space<vmem>>, vector<16xf32>,
        %swap3A_349 = vector.shape_cast %swap3A_348 : vector<16xf32> to vector<16xf32>
        %swap3A_350 = vector.shape_cast %select_n3A_343 : vector<16xf32> to vector<16xf32>
        tpu.vector_store %swap3A_346[%swap3A_347], %swap3A_350 {strides = array<i32>} : memref<512xf32, #tpu.memory_space<vmem>>, vector<16xf32>,
        %sub3A_351 = arith.constant 16 : i32
        %sub3A_352 = vector.broadcast %sub3A_351 : i32 to vector<16xi32>
        %sub3A_353 = arith.subi %sub3A_339, %sub3A_352 : vector<16xi32>
        %eq3A_354 = arith.constant 0 : i32
        %eq3A_355 = vector.broadcast %eq3A_354 : i32 to vector<16xi32>
        %eq3A_356 = arith.cmpi eq, %sub3A_353, %eq3A_355 : vector<16xi32>
        %select_n3A_357 = arith.select %eq3A_356, %get3A_5, %broadcast_in_dim3A_3 : vector<16xi1>, vector<16xf32>
        %swap3A_358 = arith.constant 0 : i32
        %swap3A_359 = tpu.memref_slice %arg5[%rem3A_76, %scan3A_107, %swap3A_358] : memref<2x50x512xf32, #tpu.memory_space<vmem>> -> memref<1x1x512xf32, #tpu.memory_space<vmem>>
        %swap3A_360 = tpu.memref_squeeze %swap3A_359 : memref<1x1x512xf32, #tpu.memory_space<vmem>> -> memref<512xf32, #tpu.memory_space<vmem>>
        %swap3A_361 = arith.constant 272 : index
        %swap3A_362 = tpu.vector_load %swap3A_360[%swap3A_361] {strides = array<i32>} : memref<512xf32, #tpu.memory_space<vmem>>, vector<16xf32>,
        %swap3A_363 = vector.shape_cast %swap3A_362 : vector<16xf32> to vector<16xf32>
        %swap3A_364 = vector.shape_cast %select_n3A_357 : vector<16xf32> to vector<16xf32>
        tpu.vector_store %swap3A_360[%swap3A_361], %swap3A_364 {strides = array<i32>} : memref<512xf32, #tpu.memory_space<vmem>>, vector<16xf32>,
        %sub3A_365 = arith.constant 16 : i32
        %sub3A_366 = vector.broadcast %sub3A_365 : i32 to vector<16xi32>
        %sub3A_367 = arith.subi %sub3A_353, %sub3A_366 : vector<16xi32>
        %eq3A_368 = arith.constant 0 : i32
        %eq3A_369 = vector.broadcast %eq3A_368 : i32 to vector<16xi32>
        %eq3A_370 = arith.cmpi eq, %sub3A_367, %eq3A_369 : vector<16xi32>
        %select_n3A_371 = arith.select %eq3A_370, %get3A_5, %broadcast_in_dim3A_3 : vector<16xi1>, vector<16xf32>
        %swap3A_372 = arith.constant 0 : i32
        %swap3A_373 = tpu.memref_slice %arg5[%rem3A_76, %scan3A_107, %swap3A_372] : memref<2x50x512xf32, #tpu.memory_space<vmem>> -> memref<1x1x512xf32, #tpu.memory_space<vmem>>
        %swap3A_374 = tpu.memref_squeeze %swap3A_373 : memref<1x1x512xf32, #tpu.memory_space<vmem>> -> memref<512xf32, #tpu.memory_space<vmem>>
        %swap3A_375 = arith.constant 288 : index
        %swap3A_376 = tpu.vector_load %swap3A_374[%swap3A_375] {strides = array<i32>} : memref<512xf32, #tpu.memory_space<vmem>>, vector<16xf32>,
        %swap3A_377 = vector.shape_cast %swap3A_376 : vector<16xf32> to vector<16xf32>
        %swap3A_378 = vector.shape_cast %select_n3A_371 : vector<16xf32> to vector<16xf32>
        tpu.vector_store %swap3A_374[%swap3A_375], %swap3A_378 {strides = array<i32>} : memref<512xf32, #tpu.memory_space<vmem>>, vector<16xf32>,
        %sub3A_379 = arith.constant 16 : i32
        %sub3A_380 = vector.broadcast %sub3A_379 : i32 to vector<16xi32>
        %sub3A_381 = arith.subi %sub3A_367, %sub3A_380 : vector<16xi32>
        %eq3A_382 = arith.constant 0 : i32
        %eq3A_383 = vector.broadcast %eq3A_382 : i32 to vector<16xi32>
        %eq3A_384 = arith.cmpi eq, %sub3A_381, %eq3A_383 : vector<16xi32>
        %select_n3A_385 = arith.select %eq3A_384, %get3A_5, %broadcast_in_dim3A_3 : vector<16xi1>, vector<16xf32>
        %swap3A_386 = arith.constant 0 : i32
        %swap3A_387 = tpu.memref_slice %arg5[%rem3A_76, %scan3A_107, %swap3A_386] : memref<2x50x512xf32, #tpu.memory_space<vmem>> -> memref<1x1x512xf32, #tpu.memory_space<vmem>>
        %swap3A_388 = tpu.memref_squeeze %swap3A_387 : memref<1x1x512xf32, #tpu.memory_space<vmem>> -> memref<512xf32, #tpu.memory_space<vmem>>
        %swap3A_389 = arith.constant 304 : index
        %swap3A_390 = tpu.vector_load %swap3A_388[%swap3A_389] {strides = array<i32>} : memref<512xf32, #tpu.memory_space<vmem>>, vector<16xf32>,
        %swap3A_391 = vector.shape_cast %swap3A_390 : vector<16xf32> to vector<16xf32>
        %swap3A_392 = vector.shape_cast %select_n3A_385 : vector<16xf32> to vector<16xf32>
        tpu.vector_store %swap3A_388[%swap3A_389], %swap3A_392 {strides = array<i32>} : memref<512xf32, #tpu.memory_space<vmem>>, vector<16xf32>,
        %sub3A_393 = arith.constant 16 : i32
        %sub3A_394 = vector.broadcast %sub3A_393 : i32 to vector<16xi32>
        %sub3A_395 = arith.subi %sub3A_381, %sub3A_394 : vector<16xi32>
        %eq3A_396 = arith.constant 0 : i32
        %eq3A_397 = vector.broadcast %eq3A_396 : i32 to vector<16xi32>
        %eq3A_398 = arith.cmpi eq, %sub3A_395, %eq3A_397 : vector<16xi32>
        %select_n3A_399 = arith.select %eq3A_398, %get3A_5, %broadcast_in_dim3A_3 : vector<16xi1>, vector<16xf32>
        %swap3A_400 = arith.constant 0 : i32
        %swap3A_401 = tpu.memref_slice %arg5[%rem3A_76, %scan3A_107, %swap3A_400] : memref<2x50x512xf32, #tpu.memory_space<vmem>> -> memref<1x1x512xf32, #tpu.memory_space<vmem>>
        %swap3A_402 = tpu.memref_squeeze %swap3A_401 : memref<1x1x512xf32, #tpu.memory_space<vmem>> -> memref<512xf32, #tpu.memory_space<vmem>>
        %swap3A_403 = arith.constant 320 : index
        %swap3A_404 = tpu.vector_load %swap3A_402[%swap3A_403] {strides = array<i32>} : memref<512xf32, #tpu.memory_space<vmem>>, vector<16xf32>,
        %swap3A_405 = vector.shape_cast %swap3A_404 : vector<16xf32> to vector<16xf32>
        %swap3A_406 = vector.shape_cast %select_n3A_399 : vector<16xf32> to vector<16xf32>
        tpu.vector_store %swap3A_402[%swap3A_403], %swap3A_406 {strides = array<i32>} : memref<512xf32, #tpu.memory_space<vmem>>, vector<16xf32>,
        %sub3A_407 = arith.constant 16 : i32
        %sub3A_408 = vector.broadcast %sub3A_407 : i32 to vector<16xi32>
        %sub3A_409 = arith.subi %sub3A_395, %sub3A_408 : vector<16xi32>
        %eq3A_410 = arith.constant 0 : i32
        %eq3A_411 = vector.broadcast %eq3A_410 : i32 to vector<16xi32>
        %eq3A_412 = arith.cmpi eq, %sub3A_409, %eq3A_411 : vector<16xi32>
        %select_n3A_413 = arith.select %eq3A_412, %get3A_5, %broadcast_in_dim3A_3 : vector<16xi1>, vector<16xf32>
        %swap3A_414 = arith.constant 0 : i32
        %swap3A_415 = tpu.memref_slice %arg5[%rem3A_76, %scan3A_107, %swap3A_414] : memref<2x50x512xf32, #tpu.memory_space<vmem>> -> memref<1x1x512xf32, #tpu.memory_space<vmem>>
        %swap3A_416 = tpu.memref_squeeze %swap3A_415 : memref<1x1x512xf32, #tpu.memory_space<vmem>> -> memref<512xf32, #tpu.memory_space<vmem>>
        %swap3A_417 = arith.constant 336 : index
        %swap3A_418 = tpu.vector_load %swap3A_416[%swap3A_417] {strides = array<i32>} : memref<512xf32, #tpu.memory_space<vmem>>, vector<16xf32>,
        %swap3A_419 = vector.shape_cast %swap3A_418 : vector<16xf32> to vector<16xf32>
        %swap3A_420 = vector.shape_cast %select_n3A_413 : vector<16xf32> to vector<16xf32>
        tpu.vector_store %swap3A_416[%swap3A_417], %swap3A_420 {strides = array<i32>} : memref<512xf32, #tpu.memory_space<vmem>>, vector<16xf32>,
        %sub3A_421 = arith.constant 16 : i32
        %sub3A_422 = vector.broadcast %sub3A_421 : i32 to vector<16xi32>
        %sub3A_423 = arith.subi %sub3A_409, %sub3A_422 : vector<16xi32>
        %eq3A_424 = arith.constant 0 : i32
        %eq3A_425 = vector.broadcast %eq3A_424 : i32 to vector<16xi32>
        %eq3A_426 = arith.cmpi eq, %sub3A_423, %eq3A_425 : vector<16xi32>
        %select_n3A_427 = arith.select %eq3A_426, %get3A_5, %broadcast_in_dim3A_3 : vector<16xi1>, vector<16xf32>
        %swap3A_428 = arith.constant 0 : i32
        %swap3A_429 = tpu.memref_slice %arg5[%rem3A_76, %scan3A_107, %swap3A_428] : memref<2x50x512xf32, #tpu.memory_space<vmem>> -> memref<1x1x512xf32, #tpu.memory_space<vmem>>
        %swap3A_430 = tpu.memref_squeeze %swap3A_429 : memref<1x1x512xf32, #tpu.memory_space<vmem>> -> memref<512xf32, #tpu.memory_space<vmem>>
        %swap3A_431 = arith.constant 352 : index
        %swap3A_432 = tpu.vector_load %swap3A_430[%swap3A_431] {strides = array<i32>} : memref<512xf32, #tpu.memory_space<vmem>>, vector<16xf32>,
        %swap3A_433 = vector.shape_cast %swap3A_432 : vector<16xf32> to vector<16xf32>
        %swap3A_434 = vector.shape_cast %select_n3A_427 : vector<16xf32> to vector<16xf32>
        tpu.vector_store %swap3A_430[%swap3A_431], %swap3A_434 {strides = array<i32>} : memref<512xf32, #tpu.memory_space<vmem>>, vector<16xf32>,
        %sub3A_435 = arith.constant 16 : i32
        %sub3A_436 = vector.broadcast %sub3A_435 : i32 to vector<16xi32>
        %sub3A_437 = arith.subi %sub3A_423, %sub3A_436 : vector<16xi32>
        %eq3A_438 = arith.constant 0 : i32
        %eq3A_439 = vector.broadcast %eq3A_438 : i32 to vector<16xi32>
        %eq3A_440 = arith.cmpi eq, %sub3A_437, %eq3A_439 : vector<16xi32>
        %select_n3A_441 = arith.select %eq3A_440, %get3A_5, %broadcast_in_dim3A_3 : vector<16xi1>, vector<16xf32>
        %swap3A_442 = arith.constant 0 : i32
        %swap3A_443 = tpu.memref_slice %arg5[%rem3A_76, %scan3A_107, %swap3A_442] : memref<2x50x512xf32, #tpu.memory_space<vmem>> -> memref<1x1x512xf32, #tpu.memory_space<vmem>>
        %swap3A_444 = tpu.memref_squeeze %swap3A_443 : memref<1x1x512xf32, #tpu.memory_space<vmem>> -> memref<512xf32, #tpu.memory_space<vmem>>
        %swap3A_445 = arith.constant 368 : index
        %swap3A_446 = tpu.vector_load %swap3A_444[%swap3A_445] {strides = array<i32>} : memref<512xf32, #tpu.memory_space<vmem>>, vector<16xf32>,
        %swap3A_447 = vector.shape_cast %swap3A_446 : vector<16xf32> to vector<16xf32>
        %swap3A_448 = vector.shape_cast %select_n3A_441 : vector<16xf32> to vector<16xf32>
        tpu.vector_store %swap3A_444[%swap3A_445], %swap3A_448 {strides = array<i32>} : memref<512xf32, #tpu.memory_space<vmem>>, vector<16xf32>,
        %sub3A_449 = arith.constant 16 : i32
        %sub3A_450 = vector.broadcast %sub3A_449 : i32 to vector<16xi32>
        %sub3A_451 = arith.subi %sub3A_437, %sub3A_450 : vector<16xi32>
        %eq3A_452 = arith.constant 0 : i32
        %eq3A_453 = vector.broadcast %eq3A_452 : i32 to vector<16xi32>
        %eq3A_454 = arith.cmpi eq, %sub3A_451, %eq3A_453 : vector<16xi32>
        %select_n3A_455 = arith.select %eq3A_454, %get3A_5, %broadcast_in_dim3A_3 : vector<16xi1>, vector<16xf32>
        %swap3A_456 = arith.constant 0 : i32
        %swap3A_457 = tpu.memref_slice %arg5[%rem3A_76, %scan3A_107, %swap3A_456] : memref<2x50x512xf32, #tpu.memory_space<vmem>> -> memref<1x1x512xf32, #tpu.memory_space<vmem>>
        %swap3A_458 = tpu.memref_squeeze %swap3A_457 : memref<1x1x512xf32, #tpu.memory_space<vmem>> -> memref<512xf32, #tpu.memory_space<vmem>>
        %swap3A_459 = arith.constant 384 : index
        %swap3A_460 = tpu.vector_load %swap3A_458[%swap3A_459] {strides = array<i32>} : memref<512xf32, #tpu.memory_space<vmem>>, vector<16xf32>,
        %swap3A_461 = vector.shape_cast %swap3A_460 : vector<16xf32> to vector<16xf32>
        %swap3A_462 = vector.shape_cast %select_n3A_455 : vector<16xf32> to vector<16xf32>
        tpu.vector_store %swap3A_458[%swap3A_459], %swap3A_462 {strides = array<i32>} : memref<512xf32, #tpu.memory_space<vmem>>, vector<16xf32>,
        %sub3A_463 = arith.constant 16 : i32
        %sub3A_464 = vector.broadcast %sub3A_463 : i32 to vector<16xi32>
        %sub3A_465 = arith.subi %sub3A_451, %sub3A_464 : vector<16xi32>
        %eq3A_466 = arith.constant 0 : i32
        %eq3A_467 = vector.broadcast %eq3A_466 : i32 to vector<16xi32>
        %eq3A_468 = arith.cmpi eq, %sub3A_465, %eq3A_467 : vector<16xi32>
        %select_n3A_469 = arith.select %eq3A_468, %get3A_5, %broadcast_in_dim3A_3 : vector<16xi1>, vector<16xf32>
        %swap3A_470 = arith.constant 0 : i32
        %swap3A_471 = tpu.memref_slice %arg5[%rem3A_76, %scan3A_107, %swap3A_470] : memref<2x50x512xf32, #tpu.memory_space<vmem>> -> memref<1x1x512xf32, #tpu.memory_space<vmem>>
        %swap3A_472 = tpu.memref_squeeze %swap3A_471 : memref<1x1x512xf32, #tpu.memory_space<vmem>> -> memref<512xf32, #tpu.memory_space<vmem>>
        %swap3A_473 = arith.constant 400 : index
        %swap3A_474 = tpu.vector_load %swap3A_472[%swap3A_473] {strides = array<i32>} : memref<512xf32, #tpu.memory_space<vmem>>, vector<16xf32>,
        %swap3A_475 = vector.shape_cast %swap3A_474 : vector<16xf32> to vector<16xf32>
        %swap3A_476 = vector.shape_cast %select_n3A_469 : vector<16xf32> to vector<16xf32>
        tpu.vector_store %swap3A_472[%swap3A_473], %swap3A_476 {strides = array<i32>} : memref<512xf32, #tpu.memory_space<vmem>>, vector<16xf32>,
        %sub3A_477 = arith.constant 16 : i32
        %sub3A_478 = vector.broadcast %sub3A_477 : i32 to vector<16xi32>
        %sub3A_479 = arith.subi %sub3A_465, %sub3A_478 : vector<16xi32>
        %eq3A_480 = arith.constant 0 : i32
        %eq3A_481 = vector.broadcast %eq3A_480 : i32 to vector<16xi32>
        %eq3A_482 = arith.cmpi eq, %sub3A_479, %eq3A_481 : vector<16xi32>
        %select_n3A_483 = arith.select %eq3A_482, %get3A_5, %broadcast_in_dim3A_3 : vector<16xi1>, vector<16xf32>
        %swap3A_484 = arith.constant 0 : i32
        %swap3A_485 = tpu.memref_slice %arg5[%rem3A_76, %scan3A_107, %swap3A_484] : memref<2x50x512xf32, #tpu.memory_space<vmem>> -> memref<1x1x512xf32, #tpu.memory_space<vmem>>
        %swap3A_486 = tpu.memref_squeeze %swap3A_485 : memref<1x1x512xf32, #tpu.memory_space<vmem>> -> memref<512xf32, #tpu.memory_space<vmem>>
        %swap3A_487 = arith.constant 416 : index
        %swap3A_488 = tpu.vector_load %swap3A_486[%swap3A_487] {strides = array<i32>} : memref<512xf32, #tpu.memory_space<vmem>>, vector<16xf32>,
        %swap3A_489 = vector.shape_cast %swap3A_488 : vector<16xf32> to vector<16xf32>
        %swap3A_490 = vector.shape_cast %select_n3A_483 : vector<16xf32> to vector<16xf32>
        tpu.vector_store %swap3A_486[%swap3A_487], %swap3A_490 {strides = array<i32>} : memref<512xf32, #tpu.memory_space<vmem>>, vector<16xf32>,
        %sub3A_491 = arith.constant 16 : i32
        %sub3A_492 = vector.broadcast %sub3A_491 : i32 to vector<16xi32>
        %sub3A_493 = arith.subi %sub3A_479, %sub3A_492 : vector<16xi32>
        %eq3A_494 = arith.constant 0 : i32
        %eq3A_495 = vector.broadcast %eq3A_494 : i32 to vector<16xi32>
        %eq3A_496 = arith.cmpi eq, %sub3A_493, %eq3A_495 : vector<16xi32>
        %select_n3A_497 = arith.select %eq3A_496, %get3A_5, %broadcast_in_dim3A_3 : vector<16xi1>, vector<16xf32>
        %swap3A_498 = arith.constant 0 : i32
        %swap3A_499 = tpu.memref_slice %arg5[%rem3A_76, %scan3A_107, %swap3A_498] : memref<2x50x512xf32, #tpu.memory_space<vmem>> -> memref<1x1x512xf32, #tpu.memory_space<vmem>>
        %swap3A_500 = tpu.memref_squeeze %swap3A_499 : memref<1x1x512xf32, #tpu.memory_space<vmem>> -> memref<512xf32, #tpu.memory_space<vmem>>
        %swap3A_501 = arith.constant 432 : index
        %swap3A_502 = tpu.vector_load %swap3A_500[%swap3A_501] {strides = array<i32>} : memref<512xf32, #tpu.memory_space<vmem>>, vector<16xf32>,
        %swap3A_503 = vector.shape_cast %swap3A_502 : vector<16xf32> to vector<16xf32>
        %swap3A_504 = vector.shape_cast %select_n3A_497 : vector<16xf32> to vector<16xf32>
        tpu.vector_store %swap3A_500[%swap3A_501], %swap3A_504 {strides = array<i32>} : memref<512xf32, #tpu.memory_space<vmem>>, vector<16xf32>,
        %sub3A_505 = arith.constant 16 : i32
        %sub3A_506 = vector.broadcast %sub3A_505 : i32 to vector<16xi32>
        %sub3A_507 = arith.subi %sub3A_493, %sub3A_506 : vector<16xi32>
        %eq3A_508 = arith.constant 0 : i32
        %eq3A_509 = vector.broadcast %eq3A_508 : i32 to vector<16xi32>
        %eq3A_510 = arith.cmpi eq, %sub3A_507, %eq3A_509 : vector<16xi32>
        %select_n3A_511 = arith.select %eq3A_510, %get3A_5, %broadcast_in_dim3A_3 : vector<16xi1>, vector<16xf32>
        %swap3A_512 = arith.constant 0 : i32
        %swap3A_513 = tpu.memref_slice %arg5[%rem3A_76, %scan3A_107, %swap3A_512] : memref<2x50x512xf32, #tpu.memory_space<vmem>> -> memref<1x1x512xf32, #tpu.memory_space<vmem>>
        %swap3A_514 = tpu.memref_squeeze %swap3A_513 : memref<1x1x512xf32, #tpu.memory_space<vmem>> -> memref<512xf32, #tpu.memory_space<vmem>>
        %swap3A_515 = arith.constant 448 : index
        %swap3A_516 = tpu.vector_load %swap3A_514[%swap3A_515] {strides = array<i32>} : memref<512xf32, #tpu.memory_space<vmem>>, vector<16xf32>,
        %swap3A_517 = vector.shape_cast %swap3A_516 : vector<16xf32> to vector<16xf32>
        %swap3A_518 = vector.shape_cast %select_n3A_511 : vector<16xf32> to vector<16xf32>
        tpu.vector_store %swap3A_514[%swap3A_515], %swap3A_518 {strides = array<i32>} : memref<512xf32, #tpu.memory_space<vmem>>, vector<16xf32>,
        %sub3A_519 = arith.constant 16 : i32
        %sub3A_520 = vector.broadcast %sub3A_519 : i32 to vector<16xi32>
        %sub3A_521 = arith.subi %sub3A_507, %sub3A_520 : vector<16xi32>
        %eq3A_522 = arith.constant 0 : i32
        %eq3A_523 = vector.broadcast %eq3A_522 : i32 to vector<16xi32>
        %eq3A_524 = arith.cmpi eq, %sub3A_521, %eq3A_523 : vector<16xi32>
        %select_n3A_525 = arith.select %eq3A_524, %get3A_5, %broadcast_in_dim3A_3 : vector<16xi1>, vector<16xf32>
        %swap3A_526 = arith.constant 0 : i32
        %swap3A_527 = tpu.memref_slice %arg5[%rem3A_76, %scan3A_107, %swap3A_526] : memref<2x50x512xf32, #tpu.memory_space<vmem>> -> memref<1x1x512xf32, #tpu.memory_space<vmem>>
        %swap3A_528 = tpu.memref_squeeze %swap3A_527 : memref<1x1x512xf32, #tpu.memory_space<vmem>> -> memref<512xf32, #tpu.memory_space<vmem>>
        %swap3A_529 = arith.constant 464 : index
        %swap3A_530 = tpu.vector_load %swap3A_528[%swap3A_529] {strides = array<i32>} : memref<512xf32, #tpu.memory_space<vmem>>, vector<16xf32>,
        %swap3A_531 = vector.shape_cast %swap3A_530 : vector<16xf32> to vector<16xf32>
        %swap3A_532 = vector.shape_cast %select_n3A_525 : vector<16xf32> to vector<16xf32>
        tpu.vector_store %swap3A_528[%swap3A_529], %swap3A_532 {strides = array<i32>} : memref<512xf32, #tpu.memory_space<vmem>>, vector<16xf32>,
        %sub3A_533 = arith.constant 16 : i32
        %sub3A_534 = vector.broadcast %sub3A_533 : i32 to vector<16xi32>
        %sub3A_535 = arith.subi %sub3A_521, %sub3A_534 : vector<16xi32>
        %eq3A_536 = arith.constant 0 : i32
        %eq3A_537 = vector.broadcast %eq3A_536 : i32 to vector<16xi32>
        %eq3A_538 = arith.cmpi eq, %sub3A_535, %eq3A_537 : vector<16xi32>
        %select_n3A_539 = arith.select %eq3A_538, %get3A_5, %broadcast_in_dim3A_3 : vector<16xi1>, vector<16xf32>
        %swap3A_540 = arith.constant 0 : i32
        %swap3A_541 = tpu.memref_slice %arg5[%rem3A_76, %scan3A_107, %swap3A_540] : memref<2x50x512xf32, #tpu.memory_space<vmem>> -> memref<1x1x512xf32, #tpu.memory_space<vmem>>
        %swap3A_542 = tpu.memref_squeeze %swap3A_541 : memref<1x1x512xf32, #tpu.memory_space<vmem>> -> memref<512xf32, #tpu.memory_space<vmem>>
        %swap3A_543 = arith.constant 480 : index
        %swap3A_544 = tpu.vector_load %swap3A_542[%swap3A_543] {strides = array<i32>} : memref<512xf32, #tpu.memory_space<vmem>>, vector<16xf32>,
        %swap3A_545 = vector.shape_cast %swap3A_544 : vector<16xf32> to vector<16xf32>
        %swap3A_546 = vector.shape_cast %select_n3A_539 : vector<16xf32> to vector<16xf32>
        tpu.vector_store %swap3A_542[%swap3A_543], %swap3A_546 {strides = array<i32>} : memref<512xf32, #tpu.memory_space<vmem>>, vector<16xf32>,
        %sub3A_547 = arith.constant 16 : i32
        %sub3A_548 = vector.broadcast %sub3A_547 : i32 to vector<16xi32>
        %sub3A_549 = arith.subi %sub3A_535, %sub3A_548 : vector<16xi32>
        %eq3A_550 = arith.constant 0 : i32
        %eq3A_551 = vector.broadcast %eq3A_550 : i32 to vector<16xi32>
        %eq3A_552 = arith.cmpi eq, %sub3A_549, %eq3A_551 : vector<16xi32>
        %select_n3A_553 = arith.select %eq3A_552, %get3A_5, %broadcast_in_dim3A_3 : vector<16xi1>, vector<16xf32>
        %swap3A_554 = arith.constant 0 : i32
        %swap3A_555 = tpu.memref_slice %arg5[%rem3A_76, %scan3A_107, %swap3A_554] : memref<2x50x512xf32, #tpu.memory_space<vmem>> -> memref<1x1x512xf32, #tpu.memory_space<vmem>>
        %swap3A_556 = tpu.memref_squeeze %swap3A_555 : memref<1x1x512xf32, #tpu.memory_space<vmem>> -> memref<512xf32, #tpu.memory_space<vmem>>
        %swap3A_557 = arith.constant 496 : index
        %swap3A_558 = tpu.vector_load %swap3A_556[%swap3A_557] {strides = array<i32>} : memref<512xf32, #tpu.memory_space<vmem>>, vector<16xf32>,
        %swap3A_559 = vector.shape_cast %swap3A_558 : vector<16xf32> to vector<16xf32>
        %swap3A_560 = vector.shape_cast %select_n3A_553 : vector<16xf32> to vector<16xf32>
        tpu.vector_store %swap3A_556[%swap3A_557], %swap3A_560 {strides = array<i32>} : memref<512xf32, #tpu.memory_space<vmem>>, vector<16xf32>,
        %sub3A_561 = arith.constant 16 : i32
        %sub3A_562 = vector.broadcast %sub3A_561 : i32 to vector<16xi32>
        %sub3A_563 = arith.subi %sub3A_549, %sub3A_562 : vector<16xi32>
        %scan3A_564 = arith.constant 0 : i32
        scf.yield %scan3A_564 : i32
      }
      %scan3A_87 = arith.constant 50 : i32
      %add3A_88 = arith.addi %mul3A_2, %select_n3A : i32
      %mul3A_89 = arith.constant 512 : i32
      %mul3A_90 = arith.muli %rem3A_74, %mul3A_89 : i32
      %dma_start3A = arith.constant 0 : i32
      %dma_start3A_91 = arith.constant 0 : i32
      %dma_start3A_92 = tpu.memref_slice %arg5[%rem3A_76, %dma_start3A, %dma_start3A_91] : memref<2x50x512xf32, #tpu.memory_space<vmem>> -> memref<1x50x512xf32, #tpu.memory_space<vmem>>
      %dma_start3A_93 = tpu.memref_squeeze %dma_start3A_92 : memref<1x50x512xf32, #tpu.memory_space<vmem>> -> memref<50x512xf32, #tpu.memory_space<vmem>>
      %dma_start3A_94 = arith.constant 0 : i32
      %dma_start3A_95 = tpu.memref_slice %arg4[%add3A_88, %dma_start3A_94, %mul3A_90] : memref<128x50x8192xf32, #tpu.memory_space<hbm>> -> memref<1x50x512xf32, #tpu.memory_space<hbm>>
      %dma_start3A_96 = tpu.memref_squeeze %dma_start3A_95 : memref<1x50x512xf32, #tpu.memory_space<hbm>> -> memref<50x512xf32, #tpu.memory_space<hbm>>
      %dma_start3A_97 = tpu.memref_slice %arg8[%rem3A_76] : memref<2x!tpu.dma_semaphore, #tpu.memory_space<semaphore_mem>> -> memref<1x!tpu.dma_semaphore, #tpu.memory_space<semaphore_mem>>
      %dma_start3A_98 = tpu.memref_squeeze %dma_start3A_97 : memref<1x!tpu.dma_semaphore, #tpu.memory_space<semaphore_mem>> -> memref<!tpu.dma_semaphore, #tpu.memory_space<semaphore_mem>>
      %dma_start3A_99 = arith.constant 0 : i32
      %dma_start3A_100 = tpu.memref_slice %arg4[%add3A_88, %dma_start3A_99, %mul3A_90] : memref<128x50x8192xf32, #tpu.memory_space<hbm>> -> memref<1x50x512xf32, #tpu.memory_space<hbm>>
      %dma_start3A_101 = tpu.memref_squeeze %dma_start3A_100 : memref<1x50x512xf32, #tpu.memory_space<hbm>> -> memref<50x512xf32, #tpu.memory_space<hbm>>
      %dma_start3A_102 = arith.constant 0 : i32
      %dma_start3A_103 = arith.constant 0 : i32
      %dma_start3A_104 = tpu.memref_slice %arg5[%rem3A_76, %dma_start3A_102, %dma_start3A_103] : memref<2x50x512xf32, #tpu.memory_space<vmem>> -> memref<1x50x512xf32, #tpu.memory_space<vmem>>
      %dma_start3A_105 = tpu.memref_squeeze %dma_start3A_104 : memref<1x50x512xf32, #tpu.memory_space<vmem>> -> memref<50x512xf32, #tpu.memory_space<vmem>>
      tpu.enqueue_dma source(%dma_start3A_105 : memref<50x512xf32, #tpu.memory_space<vmem>>) target(%dma_start3A_101 : memref<50x512xf32, #tpu.memory_space<hbm>>) target_semaphore(%dma_start3A_98 : memref<!tpu.dma_semaphore, #tpu.memory_space<semaphore_mem>>)
      %scan3A_106 = arith.constant 0 : i32
      scf.yield %scan3A_106 : i32
    }
    %scan3A_11 = arith.constant 64 : i32
    %add3A_12 = arith.constant 3 : i32
    %add3A_13 = arith.addi %mul3A_2, %add3A_12 : i32
    %dma_wait3A = arith.constant 0 : i32
    %dma_wait3A_14 = arith.constant 0 : i32
    %dma_wait3A_15 = arith.constant 0 : i32
    %dma_wait3A_16 = arith.constant 0 : i32
    %dma_wait3A_17 = tpu.memref_slice %arg5[%dma_wait3A, %dma_wait3A_15, %dma_wait3A_16] : memref<2x50x512xf32, #tpu.memory_space<vmem>> -> memref<1x50x512xf32, #tpu.memory_space<vmem>>
    %dma_wait3A_18 = tpu.memref_squeeze %dma_wait3A_17 : memref<1x50x512xf32, #tpu.memory_space<vmem>> -> memref<50x512xf32, #tpu.memory_space<vmem>>
    %dma_wait3A_19 = arith.constant 0 : i32
    %dma_wait3A_20 = arith.constant 7168 : i32
    %dma_wait3A_21 = tpu.memref_slice %arg4[%add3A_13, %dma_wait3A_19, %dma_wait3A_20] : memref<128x50x8192xf32, #tpu.memory_space<hbm>> -> memref<1x50x512xf32, #tpu.memory_space<hbm>>
    %dma_wait3A_22 = tpu.memref_squeeze %dma_wait3A_21 : memref<1x50x512xf32, #tpu.memory_space<hbm>> -> memref<50x512xf32, #tpu.memory_space<hbm>>
    %dma_wait3A_23 = tpu.memref_slice %arg8[%dma_wait3A_14] : memref<2x!tpu.dma_semaphore, #tpu.memory_space<semaphore_mem>> -> memref<1x!tpu.dma_semaphore, #tpu.memory_space<semaphore_mem>>
    %dma_wait3A_24 = tpu.memref_squeeze %dma_wait3A_23 : memref<1x!tpu.dma_semaphore, #tpu.memory_space<semaphore_mem>> -> memref<!tpu.dma_semaphore, #tpu.memory_space<semaphore_mem>>
    %dma_wait3A_25 = arith.constant 0 : i32
    %dma_wait3A_26 = arith.constant 7168 : i32
    %dma_wait3A_27 = tpu.memref_slice %arg4[%add3A_13, %dma_wait3A_25, %dma_wait3A_26] : memref<128x50x8192xf32, #tpu.memory_space<hbm>> -> memref<1x50x512xf32, #tpu.memory_space<hbm>>
    %dma_wait3A_28 = tpu.memref_squeeze %dma_wait3A_27 : memref<1x50x512xf32, #tpu.memory_space<hbm>> -> memref<50x512xf32, #tpu.memory_space<hbm>>
    %dma_wait3A_29 = arith.constant 0 : i32
    %dma_wait3A_30 = arith.constant 0 : i32
    %dma_wait3A_31 = tpu.memref_slice %arg5[%dma_wait3A, %dma_wait3A_29, %dma_wait3A_30] : memref<2x50x512xf32, #tpu.memory_space<vmem>> -> memref<1x50x512xf32, #tpu.memory_space<vmem>>
    %dma_wait3A_32 = tpu.memref_squeeze %dma_wait3A_31 : memref<1x50x512xf32, #tpu.memory_space<vmem>> -> memref<50x512xf32, #tpu.memory_space<vmem>>
    tpu.wait_dma2 semaphore(%dma_wait3A_24 : memref<!tpu.dma_semaphore, #tpu.memory_space<semaphore_mem>>) src(%dma_wait3A_32 : memref<50x512xf32, #tpu.memory_space<vmem>>) dst(%dma_wait3A_28 : memref<50x512xf32, #tpu.memory_space<hbm>>)
    %add3A_33 = arith.constant 3 : i32
    %add3A_34 = arith.addi %mul3A_2, %add3A_33 : i32
    %dma_wait3A_35 = arith.constant 1 : i32
    %dma_wait3A_36 = arith.constant 1 : i32
    %dma_wait3A_37 = arith.constant 0 : i32
    %dma_wait3A_38 = arith.constant 0 : i32
    %dma_wait3A_39 = tpu.memref_slice %arg5[%dma_wait3A_35, %dma_wait3A_37, %dma_wait3A_38] : memref<2x50x512xf32, #tpu.memory_space<vmem>> -> memref<1x50x512xf32, #tpu.memory_space<vmem>>
    %dma_wait3A_40 = tpu.memref_squeeze %dma_wait3A_39 : memref<1x50x512xf32, #tpu.memory_space<vmem>> -> memref<50x512xf32, #tpu.memory_space<vmem>>
    %dma_wait3A_41 = arith.constant 0 : i32
    %dma_wait3A_42 = arith.constant 7680 : i32
    %dma_wait3A_43 = tpu.memref_slice %arg4[%add3A_34, %dma_wait3A_41, %dma_wait3A_42] : memref<128x50x8192xf32, #tpu.memory_space<hbm>> -> memref<1x50x512xf32, #tpu.memory_space<hbm>>
    %dma_wait3A_44 = tpu.memref_squeeze %dma_wait3A_43 : memref<1x50x512xf32, #tpu.memory_space<hbm>> -> memref<50x512xf32, #tpu.memory_space<hbm>>
    %dma_wait3A_45 = tpu.memref_slice %arg8[%dma_wait3A_36] : memref<2x!tpu.dma_semaphore, #tpu.memory_space<semaphore_mem>> -> memref<1x!tpu.dma_semaphore, #tpu.memory_space<semaphore_mem>>
    %dma_wait3A_46 = tpu.memref_squeeze %dma_wait3A_45 : memref<1x!tpu.dma_semaphore, #tpu.memory_space<semaphore_mem>> -> memref<!tpu.dma_semaphore, #tpu.memory_space<semaphore_mem>>
    %dma_wait3A_47 = arith.constant 0 : i32
    %dma_wait3A_48 = arith.constant 7680 : i32
    %dma_wait3A_49 = tpu.memref_slice %arg4[%add3A_34, %dma_wait3A_47, %dma_wait3A_48] : memref<128x50x8192xf32, #tpu.memory_space<hbm>> -> memref<1x50x512xf32, #tpu.memory_space<hbm>>
    %dma_wait3A_50 = tpu.memref_squeeze %dma_wait3A_49 : memref<1x50x512xf32, #tpu.memory_space<hbm>> -> memref<50x512xf32, #tpu.memory_space<hbm>>
    %dma_wait3A_51 = arith.constant 0 : i32
    %dma_wait3A_52 = arith.constant 0 : i32
    %dma_wait3A_53 = tpu.memref_slice %arg5[%dma_wait3A_35, %dma_wait3A_51, %dma_wait3A_52] : memref<2x50x512xf32, #tpu.memory_space<vmem>> -> memref<1x50x512xf32, #tpu.memory_space<vmem>>
    %dma_wait3A_54 = tpu.memref_squeeze %dma_wait3A_53 : memref<1x50x512xf32, #tpu.memory_space<vmem>> -> memref<50x512xf32, #tpu.memory_space<vmem>>
    tpu.wait_dma2 semaphore(%dma_wait3A_46 : memref<!tpu.dma_semaphore, #tpu.memory_space<semaphore_mem>>) src(%dma_wait3A_54 : memref<50x512xf32, #tpu.memory_space<vmem>>) dst(%dma_wait3A_50 : memref<50x512xf32, #tpu.memory_space<hbm>>)
    return
  }
}

</mosaic_0001>

<sc_bundles>
// kernel: kernel.3.cloned.1.call-start
scs
__scs_entry_jumppad:
0x0: {  	(pc) =	sbr.rel $0x88, $3  }
0x1: {  	(tag) =	ssettag $0x0;
	lr =	simm.s32 $0x1  }
0x2: {  	[smem:$0x3F9F] =	sst lr;
	_ =	strace $0xD0000000  }
0x3: {  	_ = 	snop  }
0x4: {  	_ = 	snop  }
0x5: {  	_ = 	snop  }
0x6: {  	_ = 	snop  }
0x7: {  	_ = 	snop  }
__scs_overlays_trampoline_lowered:
0x8: {  	[smem:$0x3FAE] =	sst s0  }
0x9: {  	[smem:$0x3FAF] =	sst s1  }
0xa: {  	[smem:$0x3FB0] =	sst s2  }
0xb: {  	[smem:$0x3FB1] =	sst s3  }
0xc: {  	[smem:$0x3FB2] =	sst s4  }
0xd: {  	[smem:$0x3FB3] =	sst s5  }
0xe: {  	[smem:$0x3FB4] =	sst s6  }
0xf: {  	[smem:$0x3FB5] =	sst s7  }
0x10: {  	[smem:$0x3FB6] =	sst s8  }
0x11: {  	[smem:$0x3FB7] =	sst s9;
	s0 =	simm.s32 @!p0 $0x0  }
0x12: {  	s1 =	sld [smem:$0x3F9D];
	s0 =	simm.s32 @p0 $0x1  }
0x13: {  	[smem:$0x3FB8] =	sst s0;
	s0 =	simm.s32 @!p1 $0x0  }
0x14: {  	s2 =	sld [smem:$0x3F9C];
	s0 =	simm.s32 @p1 $0x1  }
0x15: {  	[smem:$0x3FB9] =	sst s0;
	s0 =	simm.s32 @!p2 $0x0  }
0x16: {  	s3 =	sld [smem:$0x3FDB];
	s0 =	simm.s32 @p2 $0x1  }
0x17: {  	s4 =	simm.s32 $0x1BF5;
	[smem:$0x3FBB] =	sst s0  }
0x18: {  	s0 =	sld [smem:$0x3F9E];
	_ =	swait.ge [sflag:s4], $0x0  }
0x19: {  	s7 =	sld [smem:$0x3F9F]  }
0x1a: {  	s8 =	sadd.s32 $0xFFFFE003, lr  }
0x1b: {  	s9 =	sadd.s32 $0xFFFFFEF7, lr;
	s5 =	simm.s32 $0xFFFFFFFF;
	p2 =	slt.u32 s8, $0xFFFFF086  }
0x1c: {  	p1 =	slt.u32 s9, $0xF7A;
	s5 =	simm.s32 @!p2 $0x0  }
0x1d: {  	s5 =	simm.s32 @p1 $0x1;
	p0 =	seq.s32 s7, s2  }
0x1e: {  	s7 =	smul.u32 @!p0 $0xF7A, s2;
	p2 =	seq.s32 @!p0 s5, $0x0  }
0x1f: {  	s9 =	smul.u32 $0xF7A, s1;
	s8 =	simm.s32 @!p0 $0x1BF5;
	p2 =	por !p2, p0  }
0x20: {  	[sflag:s8] =	ssyncset.s32 @!p0 $0xFFFFF086;
	s6 =	sadd.s32 @!p0 s3, s7;
	s7 =	simm.s32 @!p0 $0x108  }
0x21: {  	s3 =	sadd.s32 s3, s9;
	s6 =	sadd.s32 @!p0 $0x88, s6;
	s7 =	simm.s32 @p2 $0x1082  }
0x22: {  	[simem:s7], [sflag:s8] =	dma.local @!p0 [hbm:s6], $0xF7A  }
0x23: {  	s9 =	sor.u32 $0xD0000000, s2;
	s6 =	simm.s32 $0x108;
	_ =	swait.ge @!p0 [sflag:s8], $0x0  }
0x24: {  	s3 =	sadd.s32 $0x88, s3;
	s6 =	simm.s32 @!p1 $0x1082;
	[sflag:s4] =	ssyncset.s32 $0xFFFFF086  }
0x25: {  	[simem:s6], [sflag:s4] =	dma.local [hbm:s3], $0xF7A  }
0x26: {  	[smem:$0x3F9F] =	sst s1;
	(tag) =	ssettag s2;
	_ =	strace s9  }
0x27: {  	s1 =	sld [smem:$0x3FAF]  }
0x28: {  	s2 =	sld [smem:$0x3FB0]  }
0x29: {  	s4 =	sld [smem:$0x3FB2]  }
0x2a: {  	p0 =	seq.s32 s5, $0x0;
	s5 =	sld [smem:$0x3FB3]  }
0x2b: {  	s6 =	sld [smem:$0x3FB4]  }
0x2c: {  	s7 =	sld [smem:$0x3FB5]  }
0x2d: {  	s3 =	simm.s32 $0x108;
	s8 =	sld [smem:$0x3FB6]  }
0x2e: {  	s3 =	simm.s32 @!p0 $0x1082;
	s9 =	sld [smem:$0x3FB7]  }
0x2f: {  	lr =	sadd.s32 s0, s3;
	s0 =	sld [smem:$0x3FAE]  }
0x30: {  	s3 =	sld [smem:$0x3FB1]  }
0x31: {  	[smem:$0x3FBA] =	sst s10  }
0x32: {  	s10 =	sld [smem:$0x3FB8];
	_ =	sdelay $0x3  }
0x33: {  	p0 =	seq.s32 s10, $0x1;
	s10 =	sld [smem:$0x3FBA];
	_ =	sdelay $0x3  }
0x34: {  	[smem:$0x3FBA] =	sst s10  }
0x35: {  	s10 =	sld [smem:$0x3FB9];
	_ =	sdelay $0x3  }
0x36: {  	p1 =	seq.s32 s10, $0x1;
	s10 =	sld [smem:$0x3FBA];
	_ =	sdelay $0x3  }
0x37: {  	[smem:$0x3FBA] =	sst s10  }
0x38: {  	s10 =	sld [smem:$0x3FBB]  }
0x39: {  	_ = 	snop;
	(pc) =	sbr.ind lr, $3  }
0x3a: {  	_ = 	snop  }
0x3b: {  	_ = 	snop  }
0x3c: {  	p2 =	seq.s32 s10, $0x1;
	s10 =	sld [smem:$0x3FBA]  }
0x3d: {  	_ =	shalt  }
0x3e: {  	_ =	shalt  }
0x3f: {  	_ =	shalt  }
0x40: {  	_ =	shalt  }
0x41: {  	_ =	shalt  }
0x42: {  	_ =	shalt  }
0x43: {  	_ =	shalt  }
0x44: {  	_ =	shalt  }
0x45: {  	_ =	shalt  }
0x46: {  	_ =	shalt  }
0x47: {  	_ =	shalt  }
0x48: {  	_ =	shalt  }
0x49: {  	_ =	shalt  }
0x4a: {  	_ =	shalt  }
0x4b: {  	_ =	shalt  }
0x4c: {  	_ =	shalt  }
0x4d: {  	_ =	shalt  }
0x4e: {  	_ =	shalt  }
0x4f: {  	_ =	shalt  }
0x50: {  	_ =	shalt  }
0x51: {  	_ =	shalt  }
0x52: {  	_ =	shalt  }
0x53: {  	_ =	shalt  }
0x54: {  	_ =	shalt  }
0x55: {  	_ =	shalt  }
0x56: {  	_ =	shalt  }
0x57: {  	_ =	shalt  }
0x58: {  	_ =	shalt  }
0x59: {  	_ =	shalt  }
0x5a: {  	_ =	shalt  }
0x5b: {  	_ =	shalt  }
0x5c: {  	_ =	shalt  }
0x5d: {  	_ =	shalt  }
0x5e: {  	_ =	shalt  }
0x5f: {  	_ =	shalt  }
0x60: {  	_ =	shalt  }
0x61: {  	_ =	shalt  }
0x62: {  	_ =	shalt  }
0x63: {  	_ =	shalt  }
0x64: {  	_ =	shalt  }
0x65: {  	_ =	shalt  }
0x66: {  	_ =	shalt  }
0x67: {  	_ =	shalt  }
0x68: {  	_ =	shalt  }
0x69: {  	_ =	shalt  }
0x6a: {  	_ =	shalt  }
0x6b: {  	_ =	shalt  }
0x6c: {  	_ =	shalt  }
0x6d: {  	_ =	shalt  }
0x6e: {  	_ =	shalt  }
0x6f: {  	_ =	shalt  }
0x70: {  	_ =	shalt  }
0x71: {  	_ =	shalt  }
0x72: {  	_ =	shalt  }
0x73: {  	_ =	shalt  }
0x74: {  	_ =	shalt  }
0x75: {  	_ =	shalt  }
0x76: {  	_ =	shalt  }
0x77: {  	_ =	shalt  }
0x78: {  	_ =	shalt  }
0x79: {  	_ =	shalt  }
0x7a: {  	_ =	shalt  }
0x7b: {  	_ =	shalt  }
0x7c: {  	_ =	shalt  }
0x7d: {  	_ =	shalt  }
0x7e: {  	_ =	shalt  }
0x7f: {  	_ =	shalt  }
0x80: {  	_ =	shalt  }
0x81: {  	_ =	shalt  }
0x82: {  	_ =	shalt  }
0x83: {  	_ =	shalt  }
0x84: {  	_ =	shalt  }
0x85: {  	_ =	shalt  }
0x86: {  	_ =	shalt  }
0x87: {  	_ =	shalt  }
.Lfunc_end0:
.L_simem_size_0:
called_computation_lowered:
.L_overlay_start_0:
0x88: {  	s2 =	sld [smem:$0x3FD9]  }
0x89: {  	s3 =	sld [smem:$0x3FFE];
	_ =	sdelay $0x1  }
0x8a: {  	s1 =	srdreg.scid  }
0x8b: {  	s0 =	sand.u32 $0x1, s1  }
0x8c: {  	s17 =	sshll.u32 s0, $0xA;
	s2 =	sadd.s32 s3, s2  }
0x8d: {  	s2 =	sadd.s32 s2, s17  }
0x8e: {  	[smem:$0x3FC6] =	sst s2  }
0x8f: {  	_ = 	snop  }
0x90: {  	s2 =	sld [smem:$0x3FD0];
	(tm) =	ssettm $0x1  }
0x91: {  	s18 =	sld [smem:$0x3FFB];
	_ =	sdelay $0x3  }
0x92: {  	_ =	strace s18  }
0x93: {  	s3 =	sld [smem:$0x3FFC];
	_ =	sdelay $0x3  }
0x94: {  	_ =	strace s3  }
0x95: {  	s3 =	sld [smem:$0x3FFD];
	_ =	sdelay $0x3  }
0x96: {  	_ =	strace s3  }
0x97: {  	_ =	strace $0x8FFFFFFF  }
0x98: {  	s19 =	sld [smem:$0x3FDB];
	_ =	sdelay $0x1  }
0x99: {  	s4 =	simm.s32 $_scs_section_size  }
0x9a: {  	s5 =	simm.s32 $_size__tile_overlayer_lowered;
	s6 =	simm.s32 $_tile_overlayer_lowered  }
0x9b: {  	s22 =	simm.s32 $0x1BFF;
	s21 =	sshll.u32 s6, $0x1;
	s3 =	sadd.s32 s4, s19  }
0x9c: {  	s7 =	simm.s32 $0x0;
	s20 =	sshll.u32 s5, $0x1;
	s5 =	sadd.s32 s21, s3  }
0x9d: {  	[timem:s7], [sflag:s22] =	dma.local [hbm:s5], s20  }
0x9e: {  	_ =	swait.ge [sflag:s22], s20  }
0x9f: {  	s4 =	ssub.s32 $0x0, s20;
	[sflag:s22] =	ssyncset.done $0x0  }
0xa0: {  	[sflag:s22] =	ssyncadd.s32 s4;
	_ =	sdelay $0x1  }
0xa1: {  	s23 =	simm.s32 $0x1B8B  }
0xa2: {  	_ =	swait.ge [sflag:s23], $0x1  }
0xa3: {  	[sflag:s23] =	ssyncset.done $0x0  }
0xa4: {  	s25 =	simm.s32 $0x1B8E;
	s24 =	sld [smem:$0x3FFE];
	[sflag:s23] =	ssyncadd.s32 $0xFFFFFFFF  }
0xa5: {  	s26 =	simm.s32 $execute0_lowered;
	[smem:$0x3FD2] =	sst s25  }
0xa6: {  	s5 =	sshll.u32 s26, $0x1;
	_ =	strace $0x80000046;
	[dreg:$0x1] =	wrdreg $0xFFFFFFFF  }
0xa7: {  	s28 =	simm.s32 $_size_execute0_lowered;
	s3 =	sadd.s32 s3, s5;
	[dreg:$0x0] =	wrdreg $0x0  }
0xa8: {  	s5 =	sshll.u32 s28, $0x1;
	[dreg:$0x2] =	wrdreg s3  }
0xa9: {  	[dreg:$0x3] =	wrdreg s5  }
0xaa: {  	[dreg:$0x4] =	wrdreg $0xC0  }
0xab: {  	_ =	task [dreg:s7], $0x5FFFF  }
0xac: {  	[dreg:$0x1] =	wrdreg $0xFFFFFFFF  }
0xad: {  	[dreg:$0x0] =	wrdreg $0x60  }
0xae: {  	[dreg:$0x2] =	wrdreg s2  }
0xaf: {  	[dreg:$0x3] =	wrdreg s24  }
0xb0: {  	[dreg:$0x4] =	wrdreg $0x9  }
0xb1: {  	_ =	task.clear_ibuf [dreg:s7], $0x5FFFF;
	_ =	strace $0x90000046  }
0xb2: {  	s29 =	simm.s32 $0x9;
	_ =	strace $0x80000048  }
0xb3: {  	_ =	swait.ge [sflag:s29], $0x1  }
0xb4: {  	[sflag:s29] =	ssyncadd.s32 $0xFFFFFFFF  }
0xb5: {  	_ =	strace $0x90000048  }
0xb6: {  	_ =	sfence  }
0xb7: {  	s30 =	sld [smem:$0x0];
	_ =	sdelay $0x2  }
0xb8: {  	s31 =	sshll.u32 s1, $0xD;
	s1 =	sshrl.u32 s1, $0x2  }
0xb9: {  	s3 =	sand.u32 $0x4000, s31;
	s1 =	sadd.s32 s1, s30  }
0xba: {  	s0 =	sor.u32 s3, s0;
	s1 =	sshll.u32 s1, $0x11  }
0xbb: {  	s0 =	sor.u32 s1, s0  }
0xbc: {  	s0 =	sadd.s32 $0x8F2B, s0  }
0xbd: {  	[sflag:s0] =	ssyncadd.remote.s32 $0x1  }
0xbe: {  	_ =	sfence.sel $0xFFFF  }
0xbf: {  	[dreg:$0x0] =	wrdreg $0xFFFFFFFF;
	(pc) =	sbr.abs _section_cstart, $3  }
0xc0: {  	[dreg:$0x1] =	wrdreg $0xFFFFFFFF  }
0xc1: {  	_ =	task.clear_ibuf [dreg:s7], $0x2FFFF;
	_ =	strace $0x9FFFFFFF  }
0xc2: {  	(tm) =	ssettm $0x7FFFFFFF  }
0xc3: {  	_ =	shalt  }
tec
execute0_lowered:
.L_overlay_start_1:
0x0: {  	(tag) =	ssettag $0x1  }
0x1: {  	s6 =	rddreg [dreg:$0x0]  }
0x2: {  	s4 =	rddreg [dreg:$0x1]  }
0x3: {  	s0 =	rddreg [dreg:$0x2]  }
0x4: {  	s2 =	simm.s32 $0x0;
	s3 =	srdreg.scid;
	s1 =	stileid.u32  }
0x5: {  	s12 =	simm.s32 $0xEE00;
	s13 =	simm.s32 $0x1000;
	s14 =	simm.s32 $0x10000  }
0x6: {  	s15 =	simm.s32 $0x1;
	s16 =	simm.s32 $0x2;
	s17 =	simm.s32 $0x0  }
0x7: {  	[smem:$0x7FF] =	sst s2;
	s5 =	sand.u32 $0x1, s3;
	s3 =	sadd.s32 $0x600, s4  }
0x8: {  	s8 =	smul.u32 $0x1C00, s1;
	s4 =	sadd.s32 $0x800, s4;
	s11 =	sshll.u32 s1, $0x3  }
0x9: {  	_ =	strace $0x80000047;
	s7 =	ssub.s32 $0x2, s5;
	s10 =	sshll.u32 s5, $0x9  }
0xa: {  	s5 =	sshll.u32 s5, $0x2;
	s9 =	sshrl.u32 s7, $0x1;
	s8 =	sor.u32 s10, s8  }
0xb: {  	s5 =	sor.u32 s5, s11;
	s10 =	simm.s32 $0xE000;
	s11 =	simm.s32 $0x3  }
0xc: {  	v0 =	vlaneseq.u32;
	s7 =	ssub.s32 s7, s9;
	s8 =	sshrl.u32 s8, $0x3;
	s9 =	simm.s32 $0x400  }
0xd: {  	v0 =	vmul.u32 $0xFFFFFFFF, v0;
	s6 =	sadd.s32 s6, s8;
	s7 =	smax.u32 s7, $0x1;
	s8 =	simm.s32 $0x200  }
.LBB2_1:
0xe: {  	[tilespmem:s10], [sflag:$0x3] =	stream.strided.gather [hbm4b:s6+s8], $0xE00, s9, s8, $0x38;
	[tilespmem:$0xEE80] =	vst v63  }
0xf: {  	_ =	swait.ge [sflag:s11], $0xE00  }
0x10: {  	[sflag:s11] =	ssyncset.done $0x0  }
0x11: {  	[sflag:s11] =	ssyncadd.s32 $0xFFFFF200  }
0x12: {  	[tilespmem:s12], [sflag:$0x3] =	stream.linear.gather [hbm4b:s3+s2], $0x80, $0x38;
	[tilespmem:$0xEE80] =	vst v63  }
0x13: {  	_ =	swait.ge [sflag:s11], $0x80  }
0x14: {  	[sflag:s11] =	ssyncset.done $0x0  }
0x15: {  	[sflag:s11] =	ssyncadd.s32 $0xFFFFFF80  }
0x16: {  	v1 =	vld [tilespmem:$0xEE00];
	_ =	sdelay $0x3  }
0x17: {  	s18 =	simm.s32 $0x0  }
.LBB2_2:
0x18: {  	s20 =	sshrl.u32 s18, $0x4  }
0x19: {  	s19 =	sand.u32 $0x1, s18;
	p0 =	slt.u32 s18, $0x2;
	s21 =	sshll.u32 s20, $0x7  }
0x1a: {  	s24 =	simm.s32 $0x0;
	s22 =	sadd.s32 @!p0 $0x1, s19;
	s21 =	sand.u32 $0x3FFFFF80, s21  }
0x1b: {  	s31 =	sand.u32 $0xE00, s24;
	_ =	swait.ge @!p0 [sflag:s22], $0x7000;
	s25 =	sadd.s32 $0xE000, s21  }
0x1c: {  	s23 =	sand.u32 $0x70, s24;
	[sflag:s22] =	ssyncset.done @!p0 $0x0;
	s21 =	sadd.s32 s31, s25  }
0x1d: {  	[sflag:s22] =	ssyncadd.s32 @!p0 $0xFFFF9000;
	s21 =	sadd.s32 s23, s21  }
0x1e: {  	v2 =	vld [tilespmem:s21+$0x0];
	_ =	sdelay $0x2  }
0x1f: {  	s26 =	smul.u32 $0x1C000, s19;
	s22 =	sand.u32 $0xF, s18  }
0x20: {  	s30 =	sshll.u32 s22, $0x9  }
0x21: {  	s31 =	sand.u32 $0x7000, s24;
	v3 =	vmov s30;
	s21 =	sshrl.u32 s26, $0x2;
	v4 =	vadd.s32 v0, v2  }
0x22: {  	s26 =	sand.u32 $0x380, s24;
	s23 =	sadd.s32 s31, s21;
	v2 =	vsub.s32 v4, v3;
	vm0 =	veq.s32 v4, v3  }
0x23: {  	s23 =	sadd.s32 s26, s23;
	v4 =	vnsel vm0, $0x0, v1;
	vm0 =	veq.s32 v2, $0x10;
	vm1 =	veq.s32 v2, $0x20  }
0x24: {  	s28 =	simm.s32 $0x0;
	s29 =	simm.s32 $0x0;
	s26 =	simm.s32 $0x10;
	vm2 =	veq.s32 v2, $0x40;
	[tilespmem:s23+$0x0] =	vst v4;
	v4 =	vnsel vm0, $0x0, v1;
	vm0 =	veq.s32 v2, $0x1F0  }
.LBB2_3:
0x25: {  	[tilespmem:s23+$0x10] =	vst v4;
	v4 =	vnsel vm1, $0x0, v1;
	v5 =	vnsel vm2, $0x0, v1;
	v6 =	vnsel vm0, $0x0, v1;
	s24 =	sadd.s32 $0x80, s24;
	s28 =	sadd.s32 $0x200, s28;
	s29 =	sadd.s32 $0x40, s29  }
0x26: {  	p0 =	sne.s32 s26, $0x310;
	vm0 =	veq.s32 v2, $0x30;
	vm1 =	veq.s32 v2, $0x50;
	vm3 =	veq.s32 v2, $0x1D0;
	s30 =	smov.u32 s26;
	s26 =	sadd.s32 $0x10, s26;
	[tilespmem:s23+$0x20] =	vst v4  }
0x27: {  	v4 =	vnsel vm0, $0x0, v1;
	vm0 =	veq.s32 v2, $0x80;
	[tilespmem:s23+$0x40] =	vst v5;
	v5 =	vnsel vm1, $0x0, v1  }
0x28: {  	vm2 =	veq.s32 v2, $0x70;
	vm6 =	veq.s32 v2, $0x1C0;
	vm1 =	veq.s32 v2, $0x60;
	[tilespmem:s23+$0x30] =	vst v4  }
0x29: {  	v4 =	vnsel vm1, $0x0, v1;
	[tilespmem:s23+$0x50] =	vst v5;
	v5 =	vnsel vm2, $0x0, v1;
	vm2 =	veq.s32 v2, $0x1B0  }
0x2a: {  	vm5 =	veq.s32 v2, $0x130;
	vm7 =	veq.s32 v2, $0x1E0;
	[tilespmem:s23+$0x60] =	vst v4;
	v4 =	vnsel vm3, $0x0, v1  }
0x2b: {  	vm4 =	veq.s32 v2, $0xB0;
	vm1 =	veq.s32 v2, $0xA0;
	vm3 =	veq.s32 v2, $0x150;
	[tilespmem:s23+$0x70] =	vst v5  }
0x2c: {  	v7 =	vnsel vm4, $0x0, v1;
	v5 =	vnsel vm1, $0x0, v1;
	vm1 =	veq.s32 v2, $0x1A0;
	[tilespmem:s23+$0xC70] =	vst v6  }
0x2d: {  	vm8 =	veq.s32 v2, $0xD0;
	vm4 =	veq.s32 v2, $0x180;
	v6 =	vnsel vm7, $0x0, v1;
	[tilespmem:s23+$0x430] =	vst v7  }
0x2e: {  	vm9 =	veq.s32 v2, $0xC0;
	vm7 =	veq.s32 v2, $0x90;
	v7 =	vnsel vm6, $0x0, v1;
	[tilespmem:s23+$0xC50] =	vst v4  }
0x2f: {  	vm6 =	veq.s32 v2, $0xF0;
	v4 =	vnsel vm7, $0x0, v1;
	vm7 =	veq.s32 v2, $0x170;
	[tilespmem:s23+$0x420] =	vst v5  }
0x30: {  	vm10 =	veq.s32 v2, $0x110;
	vm11 =	veq.s32 v2, $0x120;
	vm12 =	veq.s32 v2, $0x140;
	[tilespmem:s23+$0xC40] =	vst v7  }
0x31: {  	v5 =	vnsel vm9, $0x0, v1;
	vm9 =	veq.s32 v2, $0x160;
	v7 =	vnsel vm10, $0x0, v1;
	[tilespmem:s23+$0xC60] =	vst v6  }
0x32: {  	v8 =	vnsel vm7, $0x0, v1;
	v6 =	vnsel vm5, $0x0, v1;
	[tilespmem:s23+$0x410] =	vst v4;
	v4 =	vnsel vm11, $0x0, v1  }
0x33: {  	v9 =	vnsel vm8, $0x0, v1;
	v10 =	vnsel vm12, $0x0, v1;
	v11 =	vnsel vm9, $0x0, v1;
	[tilespmem:s23+$0x870] =	vst v8  }
0x34: {  	v8 =	vnsel vm0, $0x0, v1;
	vm0 =	veq.s32 v2, $0x100;
	[tilespmem:s23+$0x860] =	vst v11;
	v11 =	vnsel vm2, $0x0, v1  }
0x35: {  	v14 =	vnsel vm3, $0x0, v1;
	v12 =	vnsel vm6, $0x0, v1;
	v13 =	vnsel vm0, $0x0, v1;
	[tilespmem:s23+$0xC30] =	vst v11  }
0x36: {  	vm0 =	veq.s32 v2, $0xE0;
	vm2 =	veq.s32 v2, $0x190;
	[tilespmem:s23+$0x400] =	vst v8;
	v8 =	vnsel vm4, $0x0, v1  }
0x37: {  	v2 =	vnsel vm0, $0x0, v1;
	v11 =	vnsel vm2, $0x0, v1;
	[tilespmem:s23+$0x850] =	vst v14;
	v14 =	vnsel vm1, $0x0, v1  }
0x38: {  	[tilespmem:s23+$0xC20] =	vst v14  }
0x39: {  	[tilespmem:s23+$0xC00] =	vst v8  }
0x3a: {  	[tilespmem:s23+$0x450] =	vst v9  }
0x3b: {  	[tilespmem:s23+$0x460] =	vst v2  }
0x3c: {  	[tilespmem:s23+$0x800] =	vst v13  }
0x3d: {  	[tilespmem:s23+$0x840] =	vst v10  }
0x3e: {  	[tilespmem:s23+$0xC10] =	vst v11  }
0x3f: {  	[tilespmem:s23+$0x470] =	vst v12  }
0x40: {  	[tilespmem:s23+$0x810] =	vst v7  }
0x41: {  	s31 =	sand.u32 $0xE00, s29;
	[tilespmem:s23+$0x820] =	vst v4  }
0x42: {  	s30 =	sand.u32 $0x70, s30;
	s31 =	sadd.s32 s31, s25;
	[tilespmem:s23+$0x440] =	vst v5  }
0x43: {  	s30 =	sadd.s32 s30, s31;
	[tilespmem:s23+$0x830] =	vst v6  }
0x44: {  	v2 =	vld [tilespmem:s30+$0x0];
	_ =	sdelay $0x3  }
.Ltmp0:
0x45: {  	(pc) =	sbr.rel @p0 .LBB2_3-.Ltmp0, $4  }
0x46: {  	s23 =	sand.u32 $0x7000, s28;
	v4 =	vadd.s32 v0, v2  }
0x47: {  	s30 =	sand.u32 $0x380, s24;
	s23 =	sadd.s32 s23, s21;
	v2 =	vsub.s32 v4, v3;
	vm0 =	veq.s32 v4, v3  }
0x48: {  	s23 =	sadd.s32 s30, s23;
	v4 =	vnsel vm0, $0x0, v1;
	vm0 =	veq.s32 v2, $0x10;
	vm1 =	veq.s32 v2, $0x20  }
0x49: {  	vm2 =	veq.s32 v2, $0x40;
	[tilespmem:s23+$0x0] =	vst v4;
	v4 =	vnsel vm0, $0x0, v1;
	vm0 =	veq.s32 v2, $0x1F0  }
0x4a: {  	[tilespmem:s23+$0x10] =	vst v4;
	v3 =	vnsel vm1, $0x0, v1  }
0x4b: {  	v51 =	vnsel vm2, $0x0, v1;
	vm13 =	veq.s32 v2, $0x30;
	[tilespmem:s23+$0x20] =	vst v3  }
0x4c: {  	vm14 =	veq.s32 v2, $0x50;
	v3 =	vnsel vm13, $0x0, v1;
	[tilespmem:s23+$0x40] =	vst v51  }
0x4d: {  	vm4 =	veq.s32 v2, $0x70;
	v52 =	vnsel vm14, $0x0, v1;
	[tilespmem:s23+$0x30] =	vst v3  }
0x4e: {  	vm5 =	veq.s32 v2, $0xB0;
	v53 =	vnsel vm4, $0x0, v1;
	[tilespmem:s23+$0x50] =	vst v52  }
0x4f: {  	vm7 =	veq.s32 v2, $0xA0;
	v54 =	vnsel vm5, $0x0, v1;
	[tilespmem:s23+$0x70] =	vst v53  }
0x50: {  	vm9 =	veq.s32 v2, $0x1E0;
	v55 =	vnsel vm7, $0x0, v1;
	[tilespmem:s23+$0x430] =	vst v54  }
0x51: {  	vm12 =	veq.s32 v2, $0x160;
	v56 =	vnsel vm9, $0x0, v1;
	[tilespmem:s23+$0x420] =	vst v55  }
0x52: {  	vm15 =	veq.s32 v2, $0x60;
	v57 =	vnsel vm12, $0x0, v1;
	[tilespmem:s23+$0xC60] =	vst v56  }
0x53: {  	vm14 =	veq.s32 v2, $0x80;
	v3 =	vnsel vm15, $0x0, v1;
	[tilespmem:s23+$0x860] =	vst v57  }
0x54: {  	vm5 =	veq.s32 v2, $0x180;
	v58 =	vnsel vm14, $0x0, v1;
	[tilespmem:s23+$0x60] =	vst v3  }
0x55: {  	vm7 =	veq.s32 v2, $0xE0;
	v59 =	vnsel vm5, $0x0, v1;
	[tilespmem:s23+$0x400] =	vst v58  }
0x56: {  	vm9 =	veq.s32 v2, $0x140;
	v60 =	vnsel vm7, $0x0, v1;
	[tilespmem:s23+$0xC00] =	vst v59  }
0x57: {  	v61 =	vnsel vm9, $0x0, v1;
	[tilespmem:s23+$0x460] =	vst v60  }
0x58: {  	vm6 =	veq.s32 v2, $0x1D0;
	v3 =	vnsel vm0, $0x0, v1;
	[tilespmem:s23+$0x840] =	vst v61  }
0x59: {  	vm8 =	veq.s32 v2, $0x1C0;
	[tilespmem:s23+$0xC70] =	vst v3;
	v3 =	vnsel vm6, $0x0, v1  }
0x5a: {  	vm10 =	veq.s32 v2, $0x90;
	[tilespmem:s23+$0xC50] =	vst v3;
	v3 =	vnsel vm8, $0x0, v1  }
0x5b: {  	vm11 =	veq.s32 v2, $0x170;
	[tilespmem:s23+$0xC40] =	vst v3;
	v3 =	vnsel vm10, $0x0, v1  }
0x5c: {  	vm13 =	veq.s32 v2, $0x1B0;
	[tilespmem:s23+$0x410] =	vst v3;
	v3 =	vnsel vm11, $0x0, v1  }
0x5d: {  	vm4 =	veq.s32 v2, $0x1A0;
	vm11 =	veq.s32 v2, $0xF0;
	[tilespmem:s23+$0x870] =	vst v3;
	v3 =	vnsel vm13, $0x0, v1  }
0x5e: {  	vm12 =	veq.s32 v2, $0x110;
	vm15 =	veq.s32 v2, $0x150;
	v62 =	vnsel vm11, $0x0, v1;
	[tilespmem:s23+$0xC30] =	vst v3  }
0x5f: {  	vm14 =	veq.s32 v2, $0xC0;
	vm13 =	veq.s32 v2, $0x120;
	v3 =	vnsel vm15, $0x0, v1;
	[tilespmem:s23+$0x470] =	vst v62  }
0x60: {  	vm6 =	veq.s32 v2, $0xD0;
	vm8 =	veq.s32 v2, $0x100;
	v63 =	vnsel vm13, $0x0, v1;
	[tilespmem:s23+$0x850] =	vst v3  }
0x61: {  	vm10 =	veq.s32 v2, $0x190;
	vm15 =	veq.s32 v2, $0x130;
	v2 =	vnsel vm14, $0x0, v1;
	[tilespmem:s23+$0x820] =	vst v63  }
0x62: {  	v3 =	vnsel vm4, $0x0, v1;
	[tilespmem:s23+$0x440] =	vst v2  }
0x63: {  	s20 =	sadd.s32 s5, s20;
	s18 =	sadd.s32 $0x1, s18;
	[tilespmem:s23+$0xC20] =	vst v3;
	v3 =	vnsel vm6, $0x0, v1  }
0x64: {  	s20 =	smul.u32 $0x70000, s20;
	p0 =	sne.s32 s18, $0x40;
	[tilespmem:s23+$0x450] =	vst v3;
	v3 =	vnsel vm8, $0x0, v1  }
.Ltmp1:
0x65: {  	s22 =	sshll.u32 s22, $0xC;
	[tilespmem:s23+$0x800] =	vst v3;
	v3 =	vnsel vm10, $0x0, v1;
	(pc) =	sbr.rel @p0 .LBB2_2-.Ltmp1, $4  }
0x66: {  	s20 =	sor.u32 s22, s20;
	[tilespmem:s23+$0xC10] =	vst v3;
	v3 =	vnsel vm12, $0x0, v1  }
0x67: {  	s20 =	sshrl.u32 s20, $0x3;
	[tilespmem:s23+$0x810] =	vst v3;
	v3 =	vnsel vm15, $0x0, v1  }
0x68: {  	s19 =	sadd.s32 $0x1, s19;
	s20 =	sadd.s32 s4, s20;
	[tilespmem:s23+$0x830] =	vst v3  }
0x69: {  	[hbm4b:s20+s13] =	stream.strided.scatter [tilespmem:s21], [sflag:s19], $0x7000, s14, s13, $0x38;
	[tilespmem:$0xEE80] =	vst v63  }
0x6a: {  	s17 =	sadd.s32 $0x1, s17  }
0x6b: {  	_ =	swait.ge [sflag:s15], $0x7000;
	p0 =	sne.s32 s17, s7  }
.Ltmp2:
0x6c: {  	[sflag:s15] =	ssyncset.done $0x0;
	(pc) =	sbr.rel @p0 .LBB2_1-.Ltmp2, $4  }
0x6d: {  	[sflag:s15] =	ssyncadd.s32 $0xFFFF9000  }
0x6e: {  	_ =	swait.ge [sflag:s16], $0x7000  }
0x6f: {  	[sflag:s16] =	ssyncset.done $0x0  }
0x70: {  	[sflag:s16] =	ssyncadd.s32 $0xFFFF9000  }
0x71: {  	_ =	sfence.sel $0x180000  }
0x72: {  	[bflag:$0x0] =	sbarrier.arrive $0xFFFF  }
0x73: {  	p0 =	sne.s32 s1, $0x0;
	_ =	strace $0x90000047  }
0x74: {  	s0 =	sadd.s32 @!p0 $0x100000, s0;
	[bflag:$0x2] =	sbarrier.arrive $0xFFFF  }
0x75: {  	[sflag:s0] =	ssyncadd.tile.s32 @!p0 $0x1;
	_ =	shalt  }
.Lfunc_end2:
_tile_overlayer_lowered:
.L_overlay_start_2:
0x76: {  	(tag) =	ssettag $0x2  }
0x77: {  	s0 =	rddreg [dreg:$0x0];
	s2 =	stileid.u32  }
0x78: {  	s1 =	rddreg [dreg:$0x1];
	p0 =	sne.s32 s2, $0x0  }
0x79: {  	s3 =	rddreg [dreg:$0x2];
	[bflag:$0x3] =	sbarrier.arrive $0xFFFF;
	s2 =	simm.s32 @!p0 $0x1C03  }
0x7a: {  	[timem:s3], [sflag:s2] =	dma.local @!p0 [hbm:s0], s1  }
0x7b: {  	s0 =	simm.s32 @!p0 $0x3  }
0x7c: {  	_ =	swait.ge @!p0 [sflag:s0], s1  }
0x7d: {  	s1 =	ssub.s32 @!p0 $0x0, s1;
	[sflag:s0] =	ssyncset.done @!p0 $0x0  }
0x7e: {  	[sflag:s0] =	ssyncadd.s32 @!p0 s1  }
0x7f: {  	[bflag:$0x3] =	sbarrier.arrive $0xFFFF  }
0x80: {  	_ =	shalt  }

</sc_bundles>
